<compile_context>
chip_gen: v7x
topology: tpu7x:2x2x1
jax: 0.10.2.dev20260603
libtpu: 0.0.44.dev20260713+nightly
codegen_flags: <defaults>
</compile_context>

<pallas_src>
import functools

import jax
import jax.numpy as jnp
from jax import lax
from jax.experimental import pallas as pl
from jax.experimental.pallas import tpu as pltpu
from jax.experimental.pallas import tpu_sc as plsc

_PROB = 0.12
_LANES = 16
_UNROLL = 8


def _final_indices(T):
    rkey = jax.random.key(42)
    k1, k2 = jax.random.split(rkey)
    replace = jax.random.uniform(k1, (T,)) < _PROB
    direction = jnp.where(jax.random.uniform(k2, (T,)) < 0.5, -1, 1)
    idx = jnp.arange(T)
    offset = jnp.where(idx == 0, 1, jnp.where(idx == T - 1, -1, direction))
    return jnp.where(replace, idx + offset, idx).astype(jnp.int32)


def _make_sc_permute(R, T, rb):
    info = plsc.get_sparse_core_info()
    nw = info.num_cores * info.num_subcores
    rows_per_w = R // nw
    nb = rows_per_w // rb
    chunks = T // _LANES
    mesh = plsc.VectorSubcoreMesh(core_axis_name="c", subcore_axis_name="s")

    @functools.partial(
        pl.kernel,
        out_type=jax.ShapeDtypeStruct((R, T), jnp.float32),
        mesh=mesh,
        compiler_params=pltpu.CompilerParams(needs_layout_passes=False),
        scratch_types=[
            pltpu.VMEM((T,), jnp.int32),
            pltpu.VMEM((4, rb, T), jnp.float32),
            pltpu.VMEM((2, rb, T), jnp.float32),
            pltpu.SemaphoreType.DMA,
            pltpu.SemaphoreType.DMA,
            pltpu.SemaphoreType.DMA,
            pltpu.SemaphoreType.DMA,
            pltpu.SemaphoreType.DMA,
            pltpu.SemaphoreType.DMA,
        ],
    )
    def k(x_hbm, fidx_hbm, out_hbm, fidx_v, inb, outb,
          si0, si1, si2, si3, so0, so1):
        wid = lax.axis_index("s") * info.num_cores + lax.axis_index("c")
        row_base = wid * rows_per_w
        sin = (si0, si1, si2, si3)
        sout = (so0, so1)

        def in_sl(b):
            return x_hbm.at[pl.ds(row_base + b * rb, rb)]

        def out_sl(b):
            return out_hbm.at[pl.ds(row_base + b * rb, rb)]

        for p in range(4):
            pltpu.async_copy(in_sl(p), inb.at[p], sin[p])
        pltpu.sync_copy(fidx_hbm, fidx_v)

        def outer(bb, _):
            for buf in range(4):
                b = bb * 4 + buf
                obuf = buf % 2
                pltpu.make_async_copy(in_sl(b), inb.at[buf], sin[buf]).wait()

                @pl.when(b >= 2)
                def _():
                    pltpu.make_async_copy(
                        outb.at[obuf], out_sl(b - 2), sout[obuf]
                    ).wait()

                bufv = jnp.full((_LANES,), buf, jnp.int32)

                @plsc.parallel_loop(
                    0, chunks * _LANES, _LANES, unroll=_UNROLL
                )
                def _(i):
                    sl = pl.ds(i, _LANES)
                    idxv = fidx_v[sl]
                    for r in range(rb):
                        rowv = jnp.full((_LANES,), r, jnp.int32)
                        outb[obuf, r, sl] = plsc.load_gather(
                            inb, [bufv, rowv, idxv]
                        )

                pltpu.async_copy(outb.at[obuf], out_sl(b), sout[obuf])

                @pl.when(b + 4 < nb)
                def _():
                    pltpu.async_copy(in_sl(b + 4), inb.at[buf], sin[buf])

            return 0

        lax.fori_loop(0, nb // 4, outer, 0)
        pltpu.make_async_copy(outb.at[0], out_sl(nb - 2), sout[0]).wait()
        pltpu.make_async_copy(outb.at[1], out_sl(nb - 1), sout[1]).wait()

    return k


def kernel(quantized):
    B, C, T = quantized.shape
    R = B * C
    x = quantized.reshape(R, T)
    fidx = _final_indices(T)
    out = _make_sc_permute(R, T, rb=4)(x, fidx)
    return out.reshape(B, C, T)

# --- scband reference (transcript-rebuilt; emitter-appended) ---
"""Pipeline reference for scband-jitter-17849884082575 (READ-ONLY COPY).

The authoritative reference and input builder live on the scoring server;
editing this copy changes nothing except your own understanding.
"""

import jax, jax.numpy as jnp
import numpy as np

PROBABILITY = 0.12

def setup_inputs(seed: int = 0) -> dict:
    key = jax.random.key(seed)
    quantized = jax.random.normal(key, (16, 256, 4096), dtype=jnp.float32)
    return {"quantized": quantized}

def reference(quantized):
    # Faithful jax translation of Jitter.forward: each time step i is, with
    # probability p, replaced by one of its temporal neighbors (i-1 or i+1,
    # chosen uniformly; boundary steps use their only neighbor).
    B, C, T = quantized.shape
    rkey = jax.random.key(42)
    k1, k2 = jax.random.split(rkey)
    replace = jax.random.uniform(k1, (T,)) < PROBABILITY
    direction = jnp.where(jax.random.uniform(k2, (T,)) < 0.5, -1, 1)
    idx = jnp.arange(T)
    offset = jnp.where(idx == 0, 1, jnp.where(idx == T - 1, -1, direction))
    neighbor_idx = idx + offset
    final_idx = jnp.where(replace, neighbor_idx, idx)
    # gather along time axis (maps to SparseCore gather)
    new_quantized = jnp.take(quantized, final_idx, axis=2)
    return new_quantized

if __name__ == "__main__":
    import jax
    _d = setup_inputs()
    print(jax.jit(kernel)(*tuple(_d.values())))

</pallas_src>

<mosaic_0001>
#map = affine_map<(d0, d1) -> (0, 0)>
#map1 = affine_map<(d0, d1) -> (0)>
module attributes {stable_mosaic.version = 14 : i64} {
  func.func @k(%arg0: i32, %arg1: i32, %arg2: memref<4096x4096xf32, #tpu.memory_space<hbm>>, %arg3: memref<4096xi32, #tpu.memory_space<hbm>>, %arg4: memref<4096x4096xf32, #tpu.memory_space<hbm>>, %arg5: memref<4096xi32, #tpu.memory_space<vmem>>, %arg6: memref<4x4x4096xf32, #tpu.memory_space<vmem>>, %arg7: memref<2x4x4096xf32, #tpu.memory_space<vmem>>, %arg8: memref<!tpu.dma_semaphore, #tpu.memory_space<semaphore_mem>>, %arg9: memref<!tpu.dma_semaphore, #tpu.memory_space<semaphore_mem>>, %arg10: memref<!tpu.dma_semaphore, #tpu.memory_space<semaphore_mem>>, %arg11: memref<!tpu.dma_semaphore, #tpu.memory_space<semaphore_mem>>, %arg12: memref<!tpu.dma_semaphore, #tpu.memory_space<semaphore_mem>>, %arg13: memref<!tpu.dma_semaphore, #tpu.memory_space<semaphore_mem>>) attributes {dimension_semantics = [#tpu.dimension_semantics<core_parallel>, #tpu.dimension_semantics<subcore_parallel>], iteration_bounds = array<i64: 2, 16>, scalar_prefetch = 0 : i64, scratch_operands = 9 : i64, tpu.core_type = #tpu.core_type<sc_vector_subcore>, window_params = [{transform_indices = #map}, {transform_indices = #map1}, {transform_indices = #map}]} {
    %mul3A = arith.constant 2 : i32
    %mul3A_0 = arith.muli %arg1, %mul3A : i32
    %add3A = arith.addi %mul3A_0, %arg0 : i32
    %mul3A_1 = arith.constant 128 : i32
    %mul3A_2 = arith.muli %add3A, %mul3A_1 : i32
    %add3A_3 = arith.constant 0 : i32
    %add3A_4 = arith.addi %mul3A_2, %add3A_3 : i32
    %dma_start3A = arith.constant 0 : i32
    %dma_start3A_5 = arith.constant 0 : i32
    %dma_start3A_6 = arith.constant 0 : i32
    %dma_start3A_7 = tpu.memref_slice %arg6[%dma_start3A, %dma_start3A_5, %dma_start3A_6] : memref<4x4x4096xf32, #tpu.memory_space<vmem>> -> memref<1x4x4096xf32, #tpu.memory_space<vmem>>
    %dma_start3A_8 = tpu.memref_squeeze %dma_start3A_7 : memref<1x4x4096xf32, #tpu.memory_space<vmem>> -> memref<4x4096xf32, #tpu.memory_space<vmem>>
    %dma_start3A_9 = arith.constant 0 : i32
    %dma_start3A_10 = tpu.memref_slice %arg2[%add3A_4, %dma_start3A_9] : memref<4096x4096xf32, #tpu.memory_space<hbm>> -> memref<4x4096xf32, #tpu.memory_space<hbm>>
    %dma_start3A_11 = arith.constant 0 : i32
    %dma_start3A_12 = arith.constant 0 : i32
    %dma_start3A_13 = tpu.memref_slice %arg6[%dma_start3A, %dma_start3A_11, %dma_start3A_12] : memref<4x4x4096xf32, #tpu.memory_space<vmem>> -> memref<1x4x4096xf32, #tpu.memory_space<vmem>>
    %dma_start3A_14 = tpu.memref_squeeze %dma_start3A_13 : memref<1x4x4096xf32, #tpu.memory_space<vmem>> -> memref<4x4096xf32, #tpu.memory_space<vmem>>
    %dma_start3A_15 = arith.constant 0 : i32
    %dma_start3A_16 = tpu.memref_slice %arg2[%add3A_4, %dma_start3A_15] : memref<4096x4096xf32, #tpu.memory_space<hbm>> -> memref<4x4096xf32, #tpu.memory_space<hbm>>
    tpu.enqueue_dma source(%dma_start3A_16 : memref<4x4096xf32, #tpu.memory_space<hbm>>) target(%dma_start3A_14 : memref<4x4096xf32, #tpu.memory_space<vmem>>) target_semaphore(%arg8 : memref<!tpu.dma_semaphore, #tpu.memory_space<semaphore_mem>>)
    %add3A_17 = arith.constant 4 : i32
    %add3A_18 = arith.addi %mul3A_2, %add3A_17 : i32
    %dma_start3A_19 = arith.constant 1 : i32
    %dma_start3A_20 = arith.constant 0 : i32
    %dma_start3A_21 = arith.constant 0 : i32
    %dma_start3A_22 = tpu.memref_slice %arg6[%dma_start3A_19, %dma_start3A_20, %dma_start3A_21] : memref<4x4x4096xf32, #tpu.memory_space<vmem>> -> memref<1x4x4096xf32, #tpu.memory_space<vmem>>
    %dma_start3A_23 = tpu.memref_squeeze %dma_start3A_22 : memref<1x4x4096xf32, #tpu.memory_space<vmem>> -> memref<4x4096xf32, #tpu.memory_space<vmem>>
    %dma_start3A_24 = arith.constant 0 : i32
    %dma_start3A_25 = tpu.memref_slice %arg2[%add3A_18, %dma_start3A_24] : memref<4096x4096xf32, #tpu.memory_space<hbm>> -> memref<4x4096xf32, #tpu.memory_space<hbm>>
    %dma_start3A_26 = arith.constant 0 : i32
    %dma_start3A_27 = arith.constant 0 : i32
    %dma_start3A_28 = tpu.memref_slice %arg6[%dma_start3A_19, %dma_start3A_26, %dma_start3A_27] : memref<4x4x4096xf32, #tpu.memory_space<vmem>> -> memref<1x4x4096xf32, #tpu.memory_space<vmem>>
    %dma_start3A_29 = tpu.memref_squeeze %dma_start3A_28 : memref<1x4x4096xf32, #tpu.memory_space<vmem>> -> memref<4x4096xf32, #tpu.memory_space<vmem>>
    %dma_start3A_30 = arith.constant 0 : i32
    %dma_start3A_31 = tpu.memref_slice %arg2[%add3A_18, %dma_start3A_30] : memref<4096x4096xf32, #tpu.memory_space<hbm>> -> memref<4x4096xf32, #tpu.memory_space<hbm>>
    tpu.enqueue_dma source(%dma_start3A_31 : memref<4x4096xf32, #tpu.memory_space<hbm>>) target(%dma_start3A_29 : memref<4x4096xf32, #tpu.memory_space<vmem>>) target_semaphore(%arg9 : memref<!tpu.dma_semaphore, #tpu.memory_space<semaphore_mem>>)
    %add3A_32 = arith.constant 8 : i32
    %add3A_33 = arith.addi %mul3A_2, %add3A_32 : i32
    %dma_start3A_34 = arith.constant 2 : i32
    %dma_start3A_35 = arith.constant 0 : i32
    %dma_start3A_36 = arith.constant 0 : i32
    %dma_start3A_37 = tpu.memref_slice %arg6[%dma_start3A_34, %dma_start3A_35, %dma_start3A_36] : memref<4x4x4096xf32, #tpu.memory_space<vmem>> -> memref<1x4x4096xf32, #tpu.memory_space<vmem>>
    %dma_start3A_38 = tpu.memref_squeeze %dma_start3A_37 : memref<1x4x4096xf32, #tpu.memory_space<vmem>> -> memref<4x4096xf32, #tpu.memory_space<vmem>>
    %dma_start3A_39 = arith.constant 0 : i32
    %dma_start3A_40 = tpu.memref_slice %arg2[%add3A_33, %dma_start3A_39] : memref<4096x4096xf32, #tpu.memory_space<hbm>> -> memref<4x4096xf32, #tpu.memory_space<hbm>>
    %dma_start3A_41 = arith.constant 0 : i32
    %dma_start3A_42 = arith.constant 0 : i32
    %dma_start3A_43 = tpu.memref_slice %arg6[%dma_start3A_34, %dma_start3A_41, %dma_start3A_42] : memref<4x4x4096xf32, #tpu.memory_space<vmem>> -> memref<1x4x4096xf32, #tpu.memory_space<vmem>>
    %dma_start3A_44 = tpu.memref_squeeze %dma_start3A_43 : memref<1x4x4096xf32, #tpu.memory_space<vmem>> -> memref<4x4096xf32, #tpu.memory_space<vmem>>
    %dma_start3A_45 = arith.constant 0 : i32
    %dma_start3A_46 = tpu.memref_slice %arg2[%add3A_33, %dma_start3A_45] : memref<4096x4096xf32, #tpu.memory_space<hbm>> -> memref<4x4096xf32, #tpu.memory_space<hbm>>
    tpu.enqueue_dma source(%dma_start3A_46 : memref<4x4096xf32, #tpu.memory_space<hbm>>) target(%dma_start3A_44 : memref<4x4096xf32, #tpu.memory_space<vmem>>) target_semaphore(%arg10 : memref<!tpu.dma_semaphore, #tpu.memory_space<semaphore_mem>>)
    %add3A_47 = arith.constant 12 : i32
    %add3A_48 = arith.addi %mul3A_2, %add3A_47 : i32
    %dma_start3A_49 = arith.constant 3 : i32
    %dma_start3A_50 = arith.constant 0 : i32
    %dma_start3A_51 = arith.constant 0 : i32
    %dma_start3A_52 = tpu.memref_slice %arg6[%dma_start3A_49, %dma_start3A_50, %dma_start3A_51] : memref<4x4x4096xf32, #tpu.memory_space<vmem>> -> memref<1x4x4096xf32, #tpu.memory_space<vmem>>
    %dma_start3A_53 = tpu.memref_squeeze %dma_start3A_52 : memref<1x4x4096xf32, #tpu.memory_space<vmem>> -> memref<4x4096xf32, #tpu.memory_space<vmem>>
    %dma_start3A_54 = arith.constant 0 : i32
    %dma_start3A_55 = tpu.memref_slice %arg2[%add3A_48, %dma_start3A_54] : memref<4096x4096xf32, #tpu.memory_space<hbm>> -> memref<4x4096xf32, #tpu.memory_space<hbm>>
    %dma_start3A_56 = arith.constant 0 : i32
    %dma_start3A_57 = arith.constant 0 : i32
    %dma_start3A_58 = tpu.memref_slice %arg6[%dma_start3A_49, %dma_start3A_56, %dma_start3A_57] : memref<4x4x4096xf32, #tpu.memory_space<vmem>> -> memref<1x4x4096xf32, #tpu.memory_space<vmem>>
    %dma_start3A_59 = tpu.memref_squeeze %dma_start3A_58 : memref<1x4x4096xf32, #tpu.memory_space<vmem>> -> memref<4x4096xf32, #tpu.memory_space<vmem>>
    %dma_start3A_60 = arith.constant 0 : i32
    %dma_start3A_61 = tpu.memref_slice %arg2[%add3A_48, %dma_start3A_60] : memref<4096x4096xf32, #tpu.memory_space<hbm>> -> memref<4x4096xf32, #tpu.memory_space<hbm>>
    tpu.enqueue_dma source(%dma_start3A_61 : memref<4x4096xf32, #tpu.memory_space<hbm>>) target(%dma_start3A_59 : memref<4x4096xf32, #tpu.memory_space<vmem>>) target_semaphore(%arg11 : memref<!tpu.dma_semaphore, #tpu.memory_space<semaphore_mem>>)
    "tpu.region"() ({
      %run_scoped3A = tpu.sem_alloc : memref<!tpu.dma_semaphore, #tpu.memory_space<semaphore_mem>>
      tpu.enqueue_dma source(%arg3 : memref<4096xi32, #tpu.memory_space<hbm>>) target(%arg5 : memref<4096xi32, #tpu.memory_space<vmem>>) target_semaphore(%run_scoped3A : memref<!tpu.dma_semaphore, #tpu.memory_space<semaphore_mem>>)
      tpu.wait_dma2 semaphore(%run_scoped3A : memref<!tpu.dma_semaphore, #tpu.memory_space<semaphore_mem>>) src(%arg3 : memref<4096xi32, #tpu.memory_space<hbm>>) dst(%arg5 : memref<4096xi32, #tpu.memory_space<vmem>>)
      tpu.yield
    }) : () -> ()
    %scan3A = arith.constant 0 : i32
    %scan3A_62 = arith.constant 0 : i32
    %scan3A_63 = arith.constant 8 : i32
    %scan3A_64 = arith.addi %scan3A_62, %scan3A_63 : i32
    %scan3A_65 = arith.constant 1 : i32
    %scan3A_66 = scf.for %scan3A_97 = %scan3A_62 to %scan3A_64 step %scan3A_65 iter_args(%scan3A_98 = %scan3A) -> (i32)  : i32 {
      %mul3A_99 = arith.constant 4 : i32
      %mul3A_100 = arith.muli %scan3A_97, %mul3A_99 : i32
      %add3A_101 = arith.constant 0 : i32
      %add3A_102 = arith.addi %mul3A_100, %add3A_101 : i32
      %mul3A_103 = arith.constant 4 : i32
      %mul3A_104 = arith.muli %add3A_102, %mul3A_103 : i32
      %add3A_105 = arith.addi %mul3A_2, %mul3A_104 : i32
      %dma_wait3A_106 = arith.constant 0 : i32
      %dma_wait3A_107 = arith.constant 0 : i32
      %dma_wait3A_108 = arith.constant 0 : i32
      %dma_wait3A_109 = tpu.memref_slice %arg6[%dma_wait3A_106, %dma_wait3A_107, %dma_wait3A_108] : memref<4x4x4096xf32, #tpu.memory_space<vmem>> -> memref<1x4x4096xf32, #tpu.memory_space<vmem>>
      %dma_wait3A_110 = tpu.memref_squeeze %dma_wait3A_109 : memref<1x4x4096xf32, #tpu.memory_space<vmem>> -> memref<4x4096xf32, #tpu.memory_space<vmem>>
      %dma_wait3A_111 = arith.constant 0 : i32
      %dma_wait3A_112 = tpu.memref_slice %arg2[%add3A_105, %dma_wait3A_111] : memref<4096x4096xf32, #tpu.memory_space<hbm>> -> memref<4x4096xf32, #tpu.memory_space<hbm>>
      %dma_wait3A_113 = arith.constant 0 : i32
      %dma_wait3A_114 = arith.constant 0 : i32
      %dma_wait3A_115 = tpu.memref_slice %arg6[%dma_wait3A_106, %dma_wait3A_113, %dma_wait3A_114] : memref<4x4x4096xf32, #tpu.memory_space<vmem>> -> memref<1x4x4096xf32, #tpu.memory_space<vmem>>
      %dma_wait3A_116 = tpu.memref_squeeze %dma_wait3A_115 : memref<1x4x4096xf32, #tpu.memory_space<vmem>> -> memref<4x4096xf32, #tpu.memory_space<vmem>>
      %dma_wait3A_117 = arith.constant 0 : i32
      %dma_wait3A_118 = tpu.memref_slice %arg2[%add3A_105, %dma_wait3A_117] : memref<4096x4096xf32, #tpu.memory_space<hbm>> -> memref<4x4096xf32, #tpu.memory_space<hbm>>
      tpu.wait_dma2 semaphore(%arg8 : memref<!tpu.dma_semaphore, #tpu.memory_space<semaphore_mem>>) src(%dma_wait3A_118 : memref<4x4096xf32, #tpu.memory_space<hbm>>) dst(%dma_wait3A_116 : memref<4x4096xf32, #tpu.memory_space<vmem>>)
      %ge3A = arith.constant 2 : i32
      %ge3A_119 = arith.cmpi sge, %add3A_102, %ge3A : i32
      %convert_element_type3A = arith.extui %ge3A_119 : i1 to i32
      %cond3A = arith.constant 0 : i32
      %cond3A_120 = arith.cmpi ne, %convert_element_type3A, %cond3A : i32
      scf.if %cond3A_120 {
        %sub3A = arith.constant 2 : i32
        %sub3A_306 = arith.subi %add3A_102, %sub3A : i32
        %mul3A_307 = arith.constant 4 : i32
        %mul3A_308 = arith.muli %sub3A_306, %mul3A_307 : i32
        %add3A_309 = arith.addi %mul3A_2, %mul3A_308 : i32
        %dma_wait3A_310 = arith.constant 0 : i32
        %dma_wait3A_311 = arith.constant 0 : i32
        %dma_wait3A_312 = arith.constant 0 : i32
        %dma_wait3A_313 = tpu.memref_slice %arg7[%dma_wait3A_310, %dma_wait3A_311, %dma_wait3A_312] : memref<2x4x4096xf32, #tpu.memory_space<vmem>> -> memref<1x4x4096xf32, #tpu.memory_space<vmem>>
        %dma_wait3A_314 = tpu.memref_squeeze %dma_wait3A_313 : memref<1x4x4096xf32, #tpu.memory_space<vmem>> -> memref<4x4096xf32, #tpu.memory_space<vmem>>
        %dma_wait3A_315 = arith.constant 0 : i32
        %dma_wait3A_316 = tpu.memref_slice %arg4[%add3A_309, %dma_wait3A_315] : memref<4096x4096xf32, #tpu.memory_space<hbm>> -> memref<4x4096xf32, #tpu.memory_space<hbm>>
        %dma_wait3A_317 = arith.constant 0 : i32
        %dma_wait3A_318 = tpu.memref_slice %arg4[%add3A_309, %dma_wait3A_317] : memref<4096x4096xf32, #tpu.memory_space<hbm>> -> memref<4x4096xf32, #tpu.memory_space<hbm>>
        %dma_wait3A_319 = arith.constant 0 : i32
        %dma_wait3A_320 = arith.constant 0 : i32
        %dma_wait3A_321 = tpu.memref_slice %arg7[%dma_wait3A_310, %dma_wait3A_319, %dma_wait3A_320] : memref<2x4x4096xf32, #tpu.memory_space<vmem>> -> memref<1x4x4096xf32, #tpu.memory_space<vmem>>
        %dma_wait3A_322 = tpu.memref_squeeze %dma_wait3A_321 : memref<1x4x4096xf32, #tpu.memory_space<vmem>> -> memref<4x4096xf32, #tpu.memory_space<vmem>>
        tpu.wait_dma2 semaphore(%arg12 : memref<!tpu.dma_semaphore, #tpu.memory_space<semaphore_mem>>) src(%dma_wait3A_322 : memref<4x4096xf32, #tpu.memory_space<vmem>>) dst(%dma_wait3A_318 : memref<4x4096xf32, #tpu.memory_space<hbm>>)
      } else {
      }
      %broadcast_in_dim3A = arith.constant 0 : i32
      %broadcast_in_dim3A_121 = vector.broadcast %broadcast_in_dim3A : i32 to vector<16xi32>
      %parallel_loop3A = arith.constant 0 : i32
      %parallel_loop3A_122 = arith.constant 4096 : i32
      %parallel_loop3A_123 = arith.constant 16 : i32
      scf.for %parallel_loop3A_306 = %parallel_loop3A to %parallel_loop3A_122 step %parallel_loop3A_123  : i32 {
        %parallel_loop3A_307 = arith.index_cast %parallel_loop3A_306 : i32 to index
        %parallel_loop3A_308 = tpu.vector_load %arg5[%parallel_loop3A_307] {strides = array<i32>} : memref<4096xi32, #tpu.memory_space<vmem>>, vector<16xi32>,
        %parallel_loop3A_309 = arith.constant 0 : i32
        %parallel_loop3A_310 = vector.broadcast %parallel_loop3A_309 : i32 to vector<16xi32>
        %parallel_loop3A_311 = tpu.vector_load_idx %arg6[%broadcast_in_dim3A_121, %parallel_loop3A_310, %parallel_loop3A_308] : memref<4x4x4096xf32, #tpu.memory_space<vmem>>[vector<16xi32>, vector<16xi32>, vector<16xi32>], vector<16xf32>,
        %parallel_loop3A_312 = arith.constant 0 : i32
        %parallel_loop3A_313 = arith.constant 0 : i32
        %parallel_loop3A_314 = arith.index_cast %parallel_loop3A_312 : i32 to index
        %parallel_loop3A_315 = arith.index_cast %parallel_loop3A_313 : i32 to index
        %parallel_loop3A_316 = arith.index_cast %parallel_loop3A_306 : i32 to index
        %parallel_loop3A_317 = tpu.vector_load %arg7[%parallel_loop3A_314, %parallel_loop3A_315, %parallel_loop3A_316] {strides = array<i32>} : memref<2x4x4096xf32, #tpu.memory_space<vmem>>, vector<16xf32>,
        tpu.vector_store %arg7[%parallel_loop3A_314, %parallel_loop3A_315, %parallel_loop3A_316], %parallel_loop3A_311 {strides = array<i32>} : memref<2x4x4096xf32, #tpu.memory_space<vmem>>, vector<16xf32>,
        %parallel_loop3A_318 = arith.constant 1 : i32
        %parallel_loop3A_319 = vector.broadcast %parallel_loop3A_318 : i32 to vector<16xi32>
        %parallel_loop3A_320 = tpu.vector_load_idx %arg6[%broadcast_in_dim3A_121, %parallel_loop3A_319, %parallel_loop3A_308] : memref<4x4x4096xf32, #tpu.memory_space<vmem>>[vector<16xi32>, vector<16xi32>, vector<16xi32>], vector<16xf32>,
        %parallel_loop3A_321 = arith.constant 0 : i32
        %parallel_loop3A_322 = arith.constant 1 : i32
        %parallel_loop3A_323 = arith.index_cast %parallel_loop3A_321 : i32 to index
        %parallel_loop3A_324 = arith.index_cast %parallel_loop3A_322 : i32 to index
        %parallel_loop3A_325 = arith.index_cast %parallel_loop3A_306 : i32 to index
        %parallel_loop3A_326 = tpu.vector_load %arg7[%parallel_loop3A_323, %parallel_loop3A_324, %parallel_loop3A_325] {strides = array<i32>} : memref<2x4x4096xf32, #tpu.memory_space<vmem>>, vector<16xf32>,
        tpu.vector_store %arg7[%parallel_loop3A_323, %parallel_loop3A_324, %parallel_loop3A_325], %parallel_loop3A_320 {strides = array<i32>} : memref<2x4x4096xf32, #tpu.memory_space<vmem>>, vector<16xf32>,
        %parallel_loop3A_327 = arith.constant 2 : i32
        %parallel_loop3A_328 = vector.broadcast %parallel_loop3A_327 : i32 to vector<16xi32>
        %parallel_loop3A_329 = tpu.vector_load_idx %arg6[%broadcast_in_dim3A_121, %parallel_loop3A_328, %parallel_loop3A_308] : memref<4x4x4096xf32, #tpu.memory_space<vmem>>[vector<16xi32>, vector<16xi32>, vector<16xi32>], vector<16xf32>,
        %parallel_loop3A_330 = arith.constant 0 : i32
        %parallel_loop3A_331 = arith.constant 2 : i32
        %parallel_loop3A_332 = arith.index_cast %parallel_loop3A_330 : i32 to index
        %parallel_loop3A_333 = arith.index_cast %parallel_loop3A_331 : i32 to index
        %parallel_loop3A_334 = arith.index_cast %parallel_loop3A_306 : i32 to index
        %parallel_loop3A_335 = tpu.vector_load %arg7[%parallel_loop3A_332, %parallel_loop3A_333, %parallel_loop3A_334] {strides = array<i32>} : memref<2x4x4096xf32, #tpu.memory_space<vmem>>, vector<16xf32>,
        tpu.vector_store %arg7[%parallel_loop3A_332, %parallel_loop3A_333, %parallel_loop3A_334], %parallel_loop3A_329 {strides = array<i32>} : memref<2x4x4096xf32, #tpu.memory_space<vmem>>, vector<16xf32>,
        %parallel_loop3A_336 = arith.constant 3 : i32
        %parallel_loop3A_337 = vector.broadcast %parallel_loop3A_336 : i32 to vector<16xi32>
        %parallel_loop3A_338 = tpu.vector_load_idx %arg6[%broadcast_in_dim3A_121, %parallel_loop3A_337, %parallel_loop3A_308] : memref<4x4x4096xf32, #tpu.memory_space<vmem>>[vector<16xi32>, vector<16xi32>, vector<16xi32>], vector<16xf32>,
        %parallel_loop3A_339 = arith.constant 0 : i32
        %parallel_loop3A_340 = arith.constant 3 : i32
        %parallel_loop3A_341 = arith.index_cast %parallel_loop3A_339 : i32 to index
        %parallel_loop3A_342 = arith.index_cast %parallel_loop3A_340 : i32 to index
        %parallel_loop3A_343 = arith.index_cast %parallel_loop3A_306 : i32 to index
        %parallel_loop3A_344 = tpu.vector_load %arg7[%parallel_loop3A_341, %parallel_loop3A_342, %parallel_loop3A_343] {strides = array<i32>} : memref<2x4x4096xf32, #tpu.memory_space<vmem>>, vector<16xf32>,
        tpu.vector_store %arg7[%parallel_loop3A_341, %parallel_loop3A_342, %parallel_loop3A_343], %parallel_loop3A_338 {strides = array<i32>} : memref<2x4x4096xf32, #tpu.memory_space<vmem>>, vector<16xf32>,
      } {sc.loop_unroll_factor = 8 : i64, sc.parallel_access}
      %mul3A_124 = arith.constant 4 : i32
      %mul3A_125 = arith.muli %add3A_102, %mul3A_124 : i32
      %add3A_126 = arith.addi %mul3A_2, %mul3A_125 : i32
      %dma_start3A_127 = arith.constant 0 : i32
      %dma_start3A_128 = arith.constant 0 : i32
      %dma_start3A_129 = arith.constant 0 : i32
      %dma_start3A_130 = tpu.memref_slice %arg7[%dma_start3A_127, %dma_start3A_128, %dma_start3A_129] : memref<2x4x4096xf32, #tpu.memory_space<vmem>> -> memref<1x4x4096xf32, #tpu.memory_space<vmem>>
      %dma_start3A_131 = tpu.memref_squeeze %dma_start3A_130 : memref<1x4x4096xf32, #tpu.memory_space<vmem>> -> memref<4x4096xf32, #tpu.memory_space<vmem>>
      %dma_start3A_132 = arith.constant 0 : i32
      %dma_start3A_133 = tpu.memref_slice %arg4[%add3A_126, %dma_start3A_132] : memref<4096x4096xf32, #tpu.memory_space<hbm>> -> memref<4x4096xf32, #tpu.memory_space<hbm>>
      %dma_start3A_134 = arith.constant 0 : i32
      %dma_start3A_135 = tpu.memref_slice %arg4[%add3A_126, %dma_start3A_134] : memref<4096x4096xf32, #tpu.memory_space<hbm>> -> memref<4x4096xf32, #tpu.memory_space<hbm>>
      %dma_start3A_136 = arith.constant 0 : i32
      %dma_start3A_137 = arith.constant 0 : i32
      %dma_start3A_138 = tpu.memref_slice %arg7[%dma_start3A_127, %dma_start3A_136, %dma_start3A_137] : memref<2x4x4096xf32, #tpu.memory_space<vmem>> -> memref<1x4x4096xf32, #tpu.memory_space<vmem>>
      %dma_start3A_139 = tpu.memref_squeeze %dma_start3A_138 : memref<1x4x4096xf32, #tpu.memory_space<vmem>> -> memref<4x4096xf32, #tpu.memory_space<vmem>>
      tpu.enqueue_dma source(%dma_start3A_139 : memref<4x4096xf32, #tpu.memory_space<vmem>>) target(%dma_start3A_135 : memref<4x4096xf32, #tpu.memory_space<hbm>>) target_semaphore(%arg12 : memref<!tpu.dma_semaphore, #tpu.memory_space<semaphore_mem>>)
      %add3A_140 = arith.constant 4 : i32
      %add3A_141 = arith.addi %add3A_102, %add3A_140 : i32
      %lt3A = arith.constant 32 : i32
      %lt3A_142 = arith.cmpi slt, %add3A_141, %lt3A : i32
      %convert_element_type3A_143 = arith.extui %lt3A_142 : i1 to i32
      %cond3A_144 = arith.constant 0 : i32
      %cond3A_145 = arith.cmpi ne, %convert_element_type3A_143, %cond3A_144 : i32
      scf.if %cond3A_145 {
        %add3A_306 = arith.constant 4 : i32
        %add3A_307 = arith.addi %add3A_102, %add3A_306 : i32
        %mul3A_308 = arith.constant 4 : i32
        %mul3A_309 = arith.muli %add3A_307, %mul3A_308 : i32
        %add3A_310 = arith.addi %mul3A_2, %mul3A_309 : i32
        %dma_start3A_311 = arith.constant 0 : i32
        %dma_start3A_312 = arith.constant 0 : i32
        %dma_start3A_313 = arith.constant 0 : i32
        %dma_start3A_314 = tpu.memref_slice %arg6[%dma_start3A_311, %dma_start3A_312, %dma_start3A_313] : memref<4x4x4096xf32, #tpu.memory_space<vmem>> -> memref<1x4x4096xf32, #tpu.memory_space<vmem>>
        %dma_start3A_315 = tpu.memref_squeeze %dma_start3A_314 : memref<1x4x4096xf32, #tpu.memory_space<vmem>> -> memref<4x4096xf32, #tpu.memory_space<vmem>>
        %dma_start3A_316 = arith.constant 0 : i32
        %dma_start3A_317 = tpu.memref_slice %arg2[%add3A_310, %dma_start3A_316] : memref<4096x4096xf32, #tpu.memory_space<hbm>> -> memref<4x4096xf32, #tpu.memory_space<hbm>>
        %dma_start3A_318 = arith.constant 0 : i32
        %dma_start3A_319 = arith.constant 0 : i32
        %dma_start3A_320 = tpu.memref_slice %arg6[%dma_start3A_311, %dma_start3A_318, %dma_start3A_319] : memref<4x4x4096xf32, #tpu.memory_space<vmem>> -> memref<1x4x4096xf32, #tpu.memory_space<vmem>>
        %dma_start3A_321 = tpu.memref_squeeze %dma_start3A_320 : memref<1x4x4096xf32, #tpu.memory_space<vmem>> -> memref<4x4096xf32, #tpu.memory_space<vmem>>
        %dma_start3A_322 = arith.constant 0 : i32
        %dma_start3A_323 = tpu.memref_slice %arg2[%add3A_310, %dma_start3A_322] : memref<4096x4096xf32, #tpu.memory_space<hbm>> -> memref<4x4096xf32, #tpu.memory_space<hbm>>
        tpu.enqueue_dma source(%dma_start3A_323 : memref<4x4096xf32, #tpu.memory_space<hbm>>) target(%dma_start3A_321 : memref<4x4096xf32, #tpu.memory_space<vmem>>) target_semaphore(%arg8 : memref<!tpu.dma_semaphore, #tpu.memory_space<semaphore_mem>>)
      } else {
      }
      %mul3A_146 = arith.constant 4 : i32
      %mul3A_147 = arith.muli %scan3A_97, %mul3A_146 : i32
      %add3A_148 = arith.constant 1 : i32
      %add3A_149 = arith.addi %mul3A_147, %add3A_148 : i32
      %mul3A_150 = arith.constant 4 : i32
      %mul3A_151 = arith.muli %add3A_149, %mul3A_150 : i32
      %add3A_152 = arith.addi %mul3A_2, %mul3A_151 : i32
      %dma_wait3A_153 = arith.constant 1 : i32
      %dma_wait3A_154 = arith.constant 0 : i32
      %dma_wait3A_155 = arith.constant 0 : i32
      %dma_wait3A_156 = tpu.memref_slice %arg6[%dma_wait3A_153, %dma_wait3A_154, %dma_wait3A_155] : memref<4x4x4096xf32, #tpu.memory_space<vmem>> -> memref<1x4x4096xf32, #tpu.memory_space<vmem>>
      %dma_wait3A_157 = tpu.memref_squeeze %dma_wait3A_156 : memref<1x4x4096xf32, #tpu.memory_space<vmem>> -> memref<4x4096xf32, #tpu.memory_space<vmem>>
      %dma_wait3A_158 = arith.constant 0 : i32
      %dma_wait3A_159 = tpu.memref_slice %arg2[%add3A_152, %dma_wait3A_158] : memref<4096x4096xf32, #tpu.memory_space<hbm>> -> memref<4x4096xf32, #tpu.memory_space<hbm>>
      %dma_wait3A_160 = arith.constant 0 : i32
      %dma_wait3A_161 = arith.constant 0 : i32
      %dma_wait3A_162 = tpu.memref_slice %arg6[%dma_wait3A_153, %dma_wait3A_160, %dma_wait3A_161] : memref<4x4x4096xf32, #tpu.memory_space<vmem>> -> memref<1x4x4096xf32, #tpu.memory_space<vmem>>
      %dma_wait3A_163 = tpu.memref_squeeze %dma_wait3A_162 : memref<1x4x4096xf32, #tpu.memory_space<vmem>> -> memref<4x4096xf32, #tpu.memory_space<vmem>>
      %dma_wait3A_164 = arith.constant 0 : i32
      %dma_wait3A_165 = tpu.memref_slice %arg2[%add3A_152, %dma_wait3A_164] : memref<4096x4096xf32, #tpu.memory_space<hbm>> -> memref<4x4096xf32, #tpu.memory_space<hbm>>
      tpu.wait_dma2 semaphore(%arg9 : memref<!tpu.dma_semaphore, #tpu.memory_space<semaphore_mem>>) src(%dma_wait3A_165 : memref<4x4096xf32, #tpu.memory_space<hbm>>) dst(%dma_wait3A_163 : memref<4x4096xf32, #tpu.memory_space<vmem>>)
      %ge3A_166 = arith.constant 2 : i32
      %ge3A_167 = arith.cmpi sge, %add3A_149, %ge3A_166 : i32
      %convert_element_type3A_168 = arith.extui %ge3A_167 : i1 to i32
      %cond3A_169 = arith.constant 0 : i32
      %cond3A_170 = arith.cmpi ne, %convert_element_type3A_168, %cond3A_169 : i32
      scf.if %cond3A_170 {
        %sub3A = arith.constant 2 : i32
        %sub3A_306 = arith.subi %add3A_149, %sub3A : i32
        %mul3A_307 = arith.constant 4 : i32
        %mul3A_308 = arith.muli %sub3A_306, %mul3A_307 : i32
        %add3A_309 = arith.addi %mul3A_2, %mul3A_308 : i32
        %dma_wait3A_310 = arith.constant 1 : i32
        %dma_wait3A_311 = arith.constant 0 : i32
        %dma_wait3A_312 = arith.constant 0 : i32
        %dma_wait3A_313 = tpu.memref_slice %arg7[%dma_wait3A_310, %dma_wait3A_311, %dma_wait3A_312] : memref<2x4x4096xf32, #tpu.memory_space<vmem>> -> memref<1x4x4096xf32, #tpu.memory_space<vmem>>
        %dma_wait3A_314 = tpu.memref_squeeze %dma_wait3A_313 : memref<1x4x4096xf32, #tpu.memory_space<vmem>> -> memref<4x4096xf32, #tpu.memory_space<vmem>>
        %dma_wait3A_315 = arith.constant 0 : i32
        %dma_wait3A_316 = tpu.memref_slice %arg4[%add3A_309, %dma_wait3A_315] : memref<4096x4096xf32, #tpu.memory_space<hbm>> -> memref<4x4096xf32, #tpu.memory_space<hbm>>
        %dma_wait3A_317 = arith.constant 0 : i32
        %dma_wait3A_318 = tpu.memref_slice %arg4[%add3A_309, %dma_wait3A_317] : memref<4096x4096xf32, #tpu.memory_space<hbm>> -> memref<4x4096xf32, #tpu.memory_space<hbm>>
        %dma_wait3A_319 = arith.constant 0 : i32
        %dma_wait3A_320 = arith.constant 0 : i32
        %dma_wait3A_321 = tpu.memref_slice %arg7[%dma_wait3A_310, %dma_wait3A_319, %dma_wait3A_320] : memref<2x4x4096xf32, #tpu.memory_space<vmem>> -> memref<1x4x4096xf32, #tpu.memory_space<vmem>>
        %dma_wait3A_322 = tpu.memref_squeeze %dma_wait3A_321 : memref<1x4x4096xf32, #tpu.memory_space<vmem>> -> memref<4x4096xf32, #tpu.memory_space<vmem>>
        tpu.wait_dma2 semaphore(%arg13 : memref<!tpu.dma_semaphore, #tpu.memory_space<semaphore_mem>>) src(%dma_wait3A_322 : memref<4x4096xf32, #tpu.memory_space<vmem>>) dst(%dma_wait3A_318 : memref<4x4096xf32, #tpu.memory_space<hbm>>)
      } else {
      }
      %broadcast_in_dim3A_171 = arith.constant 1 : i32
      %broadcast_in_dim3A_172 = vector.broadcast %broadcast_in_dim3A_171 : i32 to vector<16xi32>
      %parallel_loop3A_173 = arith.constant 0 : i32
      %parallel_loop3A_174 = arith.constant 4096 : i32
      %parallel_loop3A_175 = arith.constant 16 : i32
      scf.for %parallel_loop3A_306 = %parallel_loop3A_173 to %parallel_loop3A_174 step %parallel_loop3A_175  : i32 {
        %parallel_loop3A_307 = arith.index_cast %parallel_loop3A_306 : i32 to index
        %parallel_loop3A_308 = tpu.vector_load %arg5[%parallel_loop3A_307] {strides = array<i32>} : memref<4096xi32, #tpu.memory_space<vmem>>, vector<16xi32>,
        %parallel_loop3A_309 = arith.constant 0 : i32
        %parallel_loop3A_310 = vector.broadcast %parallel_loop3A_309 : i32 to vector<16xi32>
        %parallel_loop3A_311 = tpu.vector_load_idx %arg6[%broadcast_in_dim3A_172, %parallel_loop3A_310, %parallel_loop3A_308] : memref<4x4x4096xf32, #tpu.memory_space<vmem>>[vector<16xi32>, vector<16xi32>, vector<16xi32>], vector<16xf32>,
        %parallel_loop3A_312 = arith.constant 1 : i32
        %parallel_loop3A_313 = arith.constant 0 : i32
        %parallel_loop3A_314 = arith.index_cast %parallel_loop3A_312 : i32 to index
        %parallel_loop3A_315 = arith.index_cast %parallel_loop3A_313 : i32 to index
        %parallel_loop3A_316 = arith.index_cast %parallel_loop3A_306 : i32 to index
        %parallel_loop3A_317 = tpu.vector_load %arg7[%parallel_loop3A_314, %parallel_loop3A_315, %parallel_loop3A_316] {strides = array<i32>} : memref<2x4x4096xf32, #tpu.memory_space<vmem>>, vector<16xf32>,
        tpu.vector_store %arg7[%parallel_loop3A_314, %parallel_loop3A_315, %parallel_loop3A_316], %parallel_loop3A_311 {strides = array<i32>} : memref<2x4x4096xf32, #tpu.memory_space<vmem>>, vector<16xf32>,
        %parallel_loop3A_318 = arith.constant 1 : i32
        %parallel_loop3A_319 = vector.broadcast %parallel_loop3A_318 : i32 to vector<16xi32>
        %parallel_loop3A_320 = tpu.vector_load_idx %arg6[%broadcast_in_dim3A_172, %parallel_loop3A_319, %parallel_loop3A_308] : memref<4x4x4096xf32, #tpu.memory_space<vmem>>[vector<16xi32>, vector<16xi32>, vector<16xi32>], vector<16xf32>,
        %parallel_loop3A_321 = arith.constant 1 : i32
        %parallel_loop3A_322 = arith.constant 1 : i32
        %parallel_loop3A_323 = arith.index_cast %parallel_loop3A_321 : i32 to index
        %parallel_loop3A_324 = arith.index_cast %parallel_loop3A_322 : i32 to index
        %parallel_loop3A_325 = arith.index_cast %parallel_loop3A_306 : i32 to index
        %parallel_loop3A_326 = tpu.vector_load %arg7[%parallel_loop3A_323, %parallel_loop3A_324, %parallel_loop3A_325] {strides = array<i32>} : memref<2x4x4096xf32, #tpu.memory_space<vmem>>, vector<16xf32>,
        tpu.vector_store %arg7[%parallel_loop3A_323, %parallel_loop3A_324, %parallel_loop3A_325], %parallel_loop3A_320 {strides = array<i32>} : memref<2x4x4096xf32, #tpu.memory_space<vmem>>, vector<16xf32>,
        %parallel_loop3A_327 = arith.constant 2 : i32
        %parallel_loop3A_328 = vector.broadcast %parallel_loop3A_327 : i32 to vector<16xi32>
        %parallel_loop3A_329 = tpu.vector_load_idx %arg6[%broadcast_in_dim3A_172, %parallel_loop3A_328, %parallel_loop3A_308] : memref<4x4x4096xf32, #tpu.memory_space<vmem>>[vector<16xi32>, vector<16xi32>, vector<16xi32>], vector<16xf32>,
        %parallel_loop3A_330 = arith.constant 1 : i32
        %parallel_loop3A_331 = arith.constant 2 : i32
        %parallel_loop3A_332 = arith.index_cast %parallel_loop3A_330 : i32 to index
        %parallel_loop3A_333 = arith.index_cast %parallel_loop3A_331 : i32 to index
        %parallel_loop3A_334 = arith.index_cast %parallel_loop3A_306 : i32 to index
        %parallel_loop3A_335 = tpu.vector_load %arg7[%parallel_loop3A_332, %parallel_loop3A_333, %parallel_loop3A_334] {strides = array<i32>} : memref<2x4x4096xf32, #tpu.memory_space<vmem>>, vector<16xf32>,
        tpu.vector_store %arg7[%parallel_loop3A_332, %parallel_loop3A_333, %parallel_loop3A_334], %parallel_loop3A_329 {strides = array<i32>} : memref<2x4x4096xf32, #tpu.memory_space<vmem>>, vector<16xf32>,
        %parallel_loop3A_336 = arith.constant 3 : i32
        %parallel_loop3A_337 = vector.broadcast %parallel_loop3A_336 : i32 to vector<16xi32>
        %parallel_loop3A_338 = tpu.vector_load_idx %arg6[%broadcast_in_dim3A_172, %parallel_loop3A_337, %parallel_loop3A_308] : memref<4x4x4096xf32, #tpu.memory_space<vmem>>[vector<16xi32>, vector<16xi32>, vector<16xi32>], vector<16xf32>,
        %parallel_loop3A_339 = arith.constant 1 : i32
        %parallel_loop3A_340 = arith.constant 3 : i32
        %parallel_loop3A_341 = arith.index_cast %parallel_loop3A_339 : i32 to index
        %parallel_loop3A_342 = arith.index_cast %parallel_loop3A_340 : i32 to index
        %parallel_loop3A_343 = arith.index_cast %parallel_loop3A_306 : i32 to index
        %parallel_loop3A_344 = tpu.vector_load %arg7[%parallel_loop3A_341, %parallel_loop3A_342, %parallel_loop3A_343] {strides = array<i32>} : memref<2x4x4096xf32, #tpu.memory_space<vmem>>, vector<16xf32>,
        tpu.vector_store %arg7[%parallel_loop3A_341, %parallel_loop3A_342, %parallel_loop3A_343], %parallel_loop3A_338 {strides = array<i32>} : memref<2x4x4096xf32, #tpu.memory_space<vmem>>, vector<16xf32>,
      } {sc.loop_unroll_factor = 8 : i64, sc.parallel_access}
      %mul3A_176 = arith.constant 4 : i32
      %mul3A_177 = arith.muli %add3A_149, %mul3A_176 : i32
      %add3A_178 = arith.addi %mul3A_2, %mul3A_177 : i32
      %dma_start3A_179 = arith.constant 1 : i32
      %dma_start3A_180 = arith.constant 0 : i32
      %dma_start3A_181 = arith.constant 0 : i32
      %dma_start3A_182 = tpu.memref_slice %arg7[%dma_start3A_179, %dma_start3A_180, %dma_start3A_181] : memref<2x4x4096xf32, #tpu.memory_space<vmem>> -> memref<1x4x4096xf32, #tpu.memory_space<vmem>>
      %dma_start3A_183 = tpu.memref_squeeze %dma_start3A_182 : memref<1x4x4096xf32, #tpu.memory_space<vmem>> -> memref<4x4096xf32, #tpu.memory_space<vmem>>
      %dma_start3A_184 = arith.constant 0 : i32
      %dma_start3A_185 = tpu.memref_slice %arg4[%add3A_178, %dma_start3A_184] : memref<4096x4096xf32, #tpu.memory_space<hbm>> -> memref<4x4096xf32, #tpu.memory_space<hbm>>
      %dma_start3A_186 = arith.constant 0 : i32
      %dma_start3A_187 = tpu.memref_slice %arg4[%add3A_178, %dma_start3A_186] : memref<4096x4096xf32, #tpu.memory_space<hbm>> -> memref<4x4096xf32, #tpu.memory_space<hbm>>
      %dma_start3A_188 = arith.constant 0 : i32
      %dma_start3A_189 = arith.constant 0 : i32
      %dma_start3A_190 = tpu.memref_slice %arg7[%dma_start3A_179, %dma_start3A_188, %dma_start3A_189] : memref<2x4x4096xf32, #tpu.memory_space<vmem>> -> memref<1x4x4096xf32, #tpu.memory_space<vmem>>
      %dma_start3A_191 = tpu.memref_squeeze %dma_start3A_190 : memref<1x4x4096xf32, #tpu.memory_space<vmem>> -> memref<4x4096xf32, #tpu.memory_space<vmem>>
      tpu.enqueue_dma source(%dma_start3A_191 : memref<4x4096xf32, #tpu.memory_space<vmem>>) target(%dma_start3A_187 : memref<4x4096xf32, #tpu.memory_space<hbm>>) target_semaphore(%arg13 : memref<!tpu.dma_semaphore, #tpu.memory_space<semaphore_mem>>)
      %add3A_192 = arith.constant 4 : i32
      %add3A_193 = arith.addi %add3A_149, %add3A_192 : i32
      %lt3A_194 = arith.constant 32 : i32
      %lt3A_195 = arith.cmpi slt, %add3A_193, %lt3A_194 : i32
      %convert_element_type3A_196 = arith.extui %lt3A_195 : i1 to i32
      %cond3A_197 = arith.constant 0 : i32
      %cond3A_198 = arith.cmpi ne, %convert_element_type3A_196, %cond3A_197 : i32
      scf.if %cond3A_198 {
        %add3A_306 = arith.constant 4 : i32
        %add3A_307 = arith.addi %add3A_149, %add3A_306 : i32
        %mul3A_308 = arith.constant 4 : i32
        %mul3A_309 = arith.muli %add3A_307, %mul3A_308 : i32
        %add3A_310 = arith.addi %mul3A_2, %mul3A_309 : i32
        %dma_start3A_311 = arith.constant 1 : i32
        %dma_start3A_312 = arith.constant 0 : i32
        %dma_start3A_313 = arith.constant 0 : i32
        %dma_start3A_314 = tpu.memref_slice %arg6[%dma_start3A_311, %dma_start3A_312, %dma_start3A_313] : memref<4x4x4096xf32, #tpu.memory_space<vmem>> -> memref<1x4x4096xf32, #tpu.memory_space<vmem>>
        %dma_start3A_315 = tpu.memref_squeeze %dma_start3A_314 : memref<1x4x4096xf32, #tpu.memory_space<vmem>> -> memref<4x4096xf32, #tpu.memory_space<vmem>>
        %dma_start3A_316 = arith.constant 0 : i32
        %dma_start3A_317 = tpu.memref_slice %arg2[%add3A_310, %dma_start3A_316] : memref<4096x4096xf32, #tpu.memory_space<hbm>> -> memref<4x4096xf32, #tpu.memory_space<hbm>>
        %dma_start3A_318 = arith.constant 0 : i32
        %dma_start3A_319 = arith.constant 0 : i32
        %dma_start3A_320 = tpu.memref_slice %arg6[%dma_start3A_311, %dma_start3A_318, %dma_start3A_319] : memref<4x4x4096xf32, #tpu.memory_space<vmem>> -> memref<1x4x4096xf32, #tpu.memory_space<vmem>>
        %dma_start3A_321 = tpu.memref_squeeze %dma_start3A_320 : memref<1x4x4096xf32, #tpu.memory_space<vmem>> -> memref<4x4096xf32, #tpu.memory_space<vmem>>
        %dma_start3A_322 = arith.constant 0 : i32
        %dma_start3A_323 = tpu.memref_slice %arg2[%add3A_310, %dma_start3A_322] : memref<4096x4096xf32, #tpu.memory_space<hbm>> -> memref<4x4096xf32, #tpu.memory_space<hbm>>
        tpu.enqueue_dma source(%dma_start3A_323 : memref<4x4096xf32, #tpu.memory_space<hbm>>) target(%dma_start3A_321 : memref<4x4096xf32, #tpu.memory_space<vmem>>) target_semaphore(%arg9 : memref<!tpu.dma_semaphore, #tpu.memory_space<semaphore_mem>>)
      } else {
      }
      %mul3A_199 = arith.constant 4 : i32
      %mul3A_200 = arith.muli %scan3A_97, %mul3A_199 : i32
      %add3A_201 = arith.constant 2 : i32
      %add3A_202 = arith.addi %mul3A_200, %add3A_201 : i32
      %mul3A_203 = arith.constant 4 : i32
      %mul3A_204 = arith.muli %add3A_202, %mul3A_203 : i32
      %add3A_205 = arith.addi %mul3A_2, %mul3A_204 : i32
      %dma_wait3A_206 = arith.constant 2 : i32
      %dma_wait3A_207 = arith.constant 0 : i32
      %dma_wait3A_208 = arith.constant 0 : i32
      %dma_wait3A_209 = tpu.memref_slice %arg6[%dma_wait3A_206, %dma_wait3A_207, %dma_wait3A_208] : memref<4x4x4096xf32, #tpu.memory_space<vmem>> -> memref<1x4x4096xf32, #tpu.memory_space<vmem>>
      %dma_wait3A_210 = tpu.memref_squeeze %dma_wait3A_209 : memref<1x4x4096xf32, #tpu.memory_space<vmem>> -> memref<4x4096xf32, #tpu.memory_space<vmem>>
      %dma_wait3A_211 = arith.constant 0 : i32
      %dma_wait3A_212 = tpu.memref_slice %arg2[%add3A_205, %dma_wait3A_211] : memref<4096x4096xf32, #tpu.memory_space<hbm>> -> memref<4x4096xf32, #tpu.memory_space<hbm>>
      %dma_wait3A_213 = arith.constant 0 : i32
      %dma_wait3A_214 = arith.constant 0 : i32
      %dma_wait3A_215 = tpu.memref_slice %arg6[%dma_wait3A_206, %dma_wait3A_213, %dma_wait3A_214] : memref<4x4x4096xf32, #tpu.memory_space<vmem>> -> memref<1x4x4096xf32, #tpu.memory_space<vmem>>
      %dma_wait3A_216 = tpu.memref_squeeze %dma_wait3A_215 : memref<1x4x4096xf32, #tpu.memory_space<vmem>> -> memref<4x4096xf32, #tpu.memory_space<vmem>>
      %dma_wait3A_217 = arith.constant 0 : i32
      %dma_wait3A_218 = tpu.memref_slice %arg2[%add3A_205, %dma_wait3A_217] : memref<4096x4096xf32, #tpu.memory_space<hbm>> -> memref<4x4096xf32, #tpu.memory_space<hbm>>
      tpu.wait_dma2 semaphore(%arg10 : memref<!tpu.dma_semaphore, #tpu.memory_space<semaphore_mem>>) src(%dma_wait3A_218 : memref<4x4096xf32, #tpu.memory_space<hbm>>) dst(%dma_wait3A_216 : memref<4x4096xf32, #tpu.memory_space<vmem>>)
      %ge3A_219 = arith.constant 2 : i32
      %ge3A_220 = arith.cmpi sge, %add3A_202, %ge3A_219 : i32
      %convert_element_type3A_221 = arith.extui %ge3A_220 : i1 to i32
      %cond3A_222 = arith.constant 0 : i32
      %cond3A_223 = arith.cmpi ne, %convert_element_type3A_221, %cond3A_222 : i32
      scf.if %cond3A_223 {
        %sub3A = arith.constant 2 : i32
        %sub3A_306 = arith.subi %add3A_202, %sub3A : i32
        %mul3A_307 = arith.constant 4 : i32
        %mul3A_308 = arith.muli %sub3A_306, %mul3A_307 : i32
        %add3A_309 = arith.addi %mul3A_2, %mul3A_308 : i32
        %dma_wait3A_310 = arith.constant 0 : i32
        %dma_wait3A_311 = arith.constant 0 : i32
        %dma_wait3A_312 = arith.constant 0 : i32
        %dma_wait3A_313 = tpu.memref_slice %arg7[%dma_wait3A_310, %dma_wait3A_311, %dma_wait3A_312] : memref<2x4x4096xf32, #tpu.memory_space<vmem>> -> memref<1x4x4096xf32, #tpu.memory_space<vmem>>
        %dma_wait3A_314 = tpu.memref_squeeze %dma_wait3A_313 : memref<1x4x4096xf32, #tpu.memory_space<vmem>> -> memref<4x4096xf32, #tpu.memory_space<vmem>>
        %dma_wait3A_315 = arith.constant 0 : i32
        %dma_wait3A_316 = tpu.memref_slice %arg4[%add3A_309, %dma_wait3A_315] : memref<4096x4096xf32, #tpu.memory_space<hbm>> -> memref<4x4096xf32, #tpu.memory_space<hbm>>
        %dma_wait3A_317 = arith.constant 0 : i32
        %dma_wait3A_318 = tpu.memref_slice %arg4[%add3A_309, %dma_wait3A_317] : memref<4096x4096xf32, #tpu.memory_space<hbm>> -> memref<4x4096xf32, #tpu.memory_space<hbm>>
        %dma_wait3A_319 = arith.constant 0 : i32
        %dma_wait3A_320 = arith.constant 0 : i32
        %dma_wait3A_321 = tpu.memref_slice %arg7[%dma_wait3A_310, %dma_wait3A_319, %dma_wait3A_320] : memref<2x4x4096xf32, #tpu.memory_space<vmem>> -> memref<1x4x4096xf32, #tpu.memory_space<vmem>>
        %dma_wait3A_322 = tpu.memref_squeeze %dma_wait3A_321 : memref<1x4x4096xf32, #tpu.memory_space<vmem>> -> memref<4x4096xf32, #tpu.memory_space<vmem>>
        tpu.wait_dma2 semaphore(%arg12 : memref<!tpu.dma_semaphore, #tpu.memory_space<semaphore_mem>>) src(%dma_wait3A_322 : memref<4x4096xf32, #tpu.memory_space<vmem>>) dst(%dma_wait3A_318 : memref<4x4096xf32, #tpu.memory_space<hbm>>)
      } else {
      }
      %broadcast_in_dim3A_224 = arith.constant 2 : i32
      %broadcast_in_dim3A_225 = vector.broadcast %broadcast_in_dim3A_224 : i32 to vector<16xi32>
      %parallel_loop3A_226 = arith.constant 0 : i32
      %parallel_loop3A_227 = arith.constant 4096 : i32
      %parallel_loop3A_228 = arith.constant 16 : i32
      scf.for %parallel_loop3A_306 = %parallel_loop3A_226 to %parallel_loop3A_227 step %parallel_loop3A_228  : i32 {
        %parallel_loop3A_307 = arith.index_cast %parallel_loop3A_306 : i32 to index
        %parallel_loop3A_308 = tpu.vector_load %arg5[%parallel_loop3A_307] {strides = array<i32>} : memref<4096xi32, #tpu.memory_space<vmem>>, vector<16xi32>,
        %parallel_loop3A_309 = arith.constant 0 : i32
        %parallel_loop3A_310 = vector.broadcast %parallel_loop3A_309 : i32 to vector<16xi32>
        %parallel_loop3A_311 = tpu.vector_load_idx %arg6[%broadcast_in_dim3A_225, %parallel_loop3A_310, %parallel_loop3A_308] : memref<4x4x4096xf32, #tpu.memory_space<vmem>>[vector<16xi32>, vector<16xi32>, vector<16xi32>], vector<16xf32>,
        %parallel_loop3A_312 = arith.constant 0 : i32
        %parallel_loop3A_313 = arith.constant 0 : i32
        %parallel_loop3A_314 = arith.index_cast %parallel_loop3A_312 : i32 to index
        %parallel_loop3A_315 = arith.index_cast %parallel_loop3A_313 : i32 to index
        %parallel_loop3A_316 = arith.index_cast %parallel_loop3A_306 : i32 to index
        %parallel_loop3A_317 = tpu.vector_load %arg7[%parallel_loop3A_314, %parallel_loop3A_315, %parallel_loop3A_316] {strides = array<i32>} : memref<2x4x4096xf32, #tpu.memory_space<vmem>>, vector<16xf32>,
        tpu.vector_store %arg7[%parallel_loop3A_314, %parallel_loop3A_315, %parallel_loop3A_316], %parallel_loop3A_311 {strides = array<i32>} : memref<2x4x4096xf32, #tpu.memory_space<vmem>>, vector<16xf32>,
        %parallel_loop3A_318 = arith.constant 1 : i32
        %parallel_loop3A_319 = vector.broadcast %parallel_loop3A_318 : i32 to vector<16xi32>
        %parallel_loop3A_320 = tpu.vector_load_idx %arg6[%broadcast_in_dim3A_225, %parallel_loop3A_319, %parallel_loop3A_308] : memref<4x4x4096xf32, #tpu.memory_space<vmem>>[vector<16xi32>, vector<16xi32>, vector<16xi32>], vector<16xf32>,
        %parallel_loop3A_321 = arith.constant 0 : i32
        %parallel_loop3A_322 = arith.constant 1 : i32
        %parallel_loop3A_323 = arith.index_cast %parallel_loop3A_321 : i32 to index
        %parallel_loop3A_324 = arith.index_cast %parallel_loop3A_322 : i32 to index
        %parallel_loop3A_325 = arith.index_cast %parallel_loop3A_306 : i32 to index
        %parallel_loop3A_326 = tpu.vector_load %arg7[%parallel_loop3A_323, %parallel_loop3A_324, %parallel_loop3A_325] {strides = array<i32>} : memref<2x4x4096xf32, #tpu.memory_space<vmem>>, vector<16xf32>,
        tpu.vector_store %arg7[%parallel_loop3A_323, %parallel_loop3A_324, %parallel_loop3A_325], %parallel_loop3A_320 {strides = array<i32>} : memref<2x4x4096xf32, #tpu.memory_space<vmem>>, vector<16xf32>,
        %parallel_loop3A_327 = arith.constant 2 : i32
        %parallel_loop3A_328 = vector.broadcast %parallel_loop3A_327 : i32 to vector<16xi32>
        %parallel_loop3A_329 = tpu.vector_load_idx %arg6[%broadcast_in_dim3A_225, %parallel_loop3A_328, %parallel_loop3A_308] : memref<4x4x4096xf32, #tpu.memory_space<vmem>>[vector<16xi32>, vector<16xi32>, vector<16xi32>], vector<16xf32>,
        %parallel_loop3A_330 = arith.constant 0 : i32
        %parallel_loop3A_331 = arith.constant 2 : i32
        %parallel_loop3A_332 = arith.index_cast %parallel_loop3A_330 : i32 to index
        %parallel_loop3A_333 = arith.index_cast %parallel_loop3A_331 : i32 to index
        %parallel_loop3A_334 = arith.index_cast %parallel_loop3A_306 : i32 to index
        %parallel_loop3A_335 = tpu.vector_load %arg7[%parallel_loop3A_332, %parallel_loop3A_333, %parallel_loop3A_334] {strides = array<i32>} : memref<2x4x4096xf32, #tpu.memory_space<vmem>>, vector<16xf32>,
        tpu.vector_store %arg7[%parallel_loop3A_332, %parallel_loop3A_333, %parallel_loop3A_334], %parallel_loop3A_329 {strides = array<i32>} : memref<2x4x4096xf32, #tpu.memory_space<vmem>>, vector<16xf32>,
        %parallel_loop3A_336 = arith.constant 3 : i32
        %parallel_loop3A_337 = vector.broadcast %parallel_loop3A_336 : i32 to vector<16xi32>
        %parallel_loop3A_338 = tpu.vector_load_idx %arg6[%broadcast_in_dim3A_225, %parallel_loop3A_337, %parallel_loop3A_308] : memref<4x4x4096xf32, #tpu.memory_space<vmem>>[vector<16xi32>, vector<16xi32>, vector<16xi32>], vector<16xf32>,
        %parallel_loop3A_339 = arith.constant 0 : i32
        %parallel_loop3A_340 = arith.constant 3 : i32
        %parallel_loop3A_341 = arith.index_cast %parallel_loop3A_339 : i32 to index
        %parallel_loop3A_342 = arith.index_cast %parallel_loop3A_340 : i32 to index
        %parallel_loop3A_343 = arith.index_cast %parallel_loop3A_306 : i32 to index
        %parallel_loop3A_344 = tpu.vector_load %arg7[%parallel_loop3A_341, %parallel_loop3A_342, %parallel_loop3A_343] {strides = array<i32>} : memref<2x4x4096xf32, #tpu.memory_space<vmem>>, vector<16xf32>,
        tpu.vector_store %arg7[%parallel_loop3A_341, %parallel_loop3A_342, %parallel_loop3A_343], %parallel_loop3A_338 {strides = array<i32>} : memref<2x4x4096xf32, #tpu.memory_space<vmem>>, vector<16xf32>,
      } {sc.loop_unroll_factor = 8 : i64, sc.parallel_access}
      %mul3A_229 = arith.constant 4 : i32
      %mul3A_230 = arith.muli %add3A_202, %mul3A_229 : i32
      %add3A_231 = arith.addi %mul3A_2, %mul3A_230 : i32
      %dma_start3A_232 = arith.constant 0 : i32
      %dma_start3A_233 = arith.constant 0 : i32
      %dma_start3A_234 = arith.constant 0 : i32
      %dma_start3A_235 = tpu.memref_slice %arg7[%dma_start3A_232, %dma_start3A_233, %dma_start3A_234] : memref<2x4x4096xf32, #tpu.memory_space<vmem>> -> memref<1x4x4096xf32, #tpu.memory_space<vmem>>
      %dma_start3A_236 = tpu.memref_squeeze %dma_start3A_235 : memref<1x4x4096xf32, #tpu.memory_space<vmem>> -> memref<4x4096xf32, #tpu.memory_space<vmem>>
      %dma_start3A_237 = arith.constant 0 : i32
      %dma_start3A_238 = tpu.memref_slice %arg4[%add3A_231, %dma_start3A_237] : memref<4096x4096xf32, #tpu.memory_space<hbm>> -> memref<4x4096xf32, #tpu.memory_space<hbm>>
      %dma_start3A_239 = arith.constant 0 : i32
      %dma_start3A_240 = tpu.memref_slice %arg4[%add3A_231, %dma_start3A_239] : memref<4096x4096xf32, #tpu.memory_space<hbm>> -> memref<4x4096xf32, #tpu.memory_space<hbm>>
      %dma_start3A_241 = arith.constant 0 : i32
      %dma_start3A_242 = arith.constant 0 : i32
      %dma_start3A_243 = tpu.memref_slice %arg7[%dma_start3A_232, %dma_start3A_241, %dma_start3A_242] : memref<2x4x4096xf32, #tpu.memory_space<vmem>> -> memref<1x4x4096xf32, #tpu.memory_space<vmem>>
      %dma_start3A_244 = tpu.memref_squeeze %dma_start3A_243 : memref<1x4x4096xf32, #tpu.memory_space<vmem>> -> memref<4x4096xf32, #tpu.memory_space<vmem>>
      tpu.enqueue_dma source(%dma_start3A_244 : memref<4x4096xf32, #tpu.memory_space<vmem>>) target(%dma_start3A_240 : memref<4x4096xf32, #tpu.memory_space<hbm>>) target_semaphore(%arg12 : memref<!tpu.dma_semaphore, #tpu.memory_space<semaphore_mem>>)
      %add3A_245 = arith.constant 4 : i32
      %add3A_246 = arith.addi %add3A_202, %add3A_245 : i32
      %lt3A_247 = arith.constant 32 : i32
      %lt3A_248 = arith.cmpi slt, %add3A_246, %lt3A_247 : i32
      %convert_element_type3A_249 = arith.extui %lt3A_248 : i1 to i32
      %cond3A_250 = arith.constant 0 : i32
      %cond3A_251 = arith.cmpi ne, %convert_element_type3A_249, %cond3A_250 : i32
      scf.if %cond3A_251 {
        %add3A_306 = arith.constant 4 : i32
        %add3A_307 = arith.addi %add3A_202, %add3A_306 : i32
        %mul3A_308 = arith.constant 4 : i32
        %mul3A_309 = arith.muli %add3A_307, %mul3A_308 : i32
        %add3A_310 = arith.addi %mul3A_2, %mul3A_309 : i32
        %dma_start3A_311 = arith.constant 2 : i32
        %dma_start3A_312 = arith.constant 0 : i32
        %dma_start3A_313 = arith.constant 0 : i32
        %dma_start3A_314 = tpu.memref_slice %arg6[%dma_start3A_311, %dma_start3A_312, %dma_start3A_313] : memref<4x4x4096xf32, #tpu.memory_space<vmem>> -> memref<1x4x4096xf32, #tpu.memory_space<vmem>>
        %dma_start3A_315 = tpu.memref_squeeze %dma_start3A_314 : memref<1x4x4096xf32, #tpu.memory_space<vmem>> -> memref<4x4096xf32, #tpu.memory_space<vmem>>
        %dma_start3A_316 = arith.constant 0 : i32
        %dma_start3A_317 = tpu.memref_slice %arg2[%add3A_310, %dma_start3A_316] : memref<4096x4096xf32, #tpu.memory_space<hbm>> -> memref<4x4096xf32, #tpu.memory_space<hbm>>
        %dma_start3A_318 = arith.constant 0 : i32
        %dma_start3A_319 = arith.constant 0 : i32
        %dma_start3A_320 = tpu.memref_slice %arg6[%dma_start3A_311, %dma_start3A_318, %dma_start3A_319] : memref<4x4x4096xf32, #tpu.memory_space<vmem>> -> memref<1x4x4096xf32, #tpu.memory_space<vmem>>
        %dma_start3A_321 = tpu.memref_squeeze %dma_start3A_320 : memref<1x4x4096xf32, #tpu.memory_space<vmem>> -> memref<4x4096xf32, #tpu.memory_space<vmem>>
        %dma_start3A_322 = arith.constant 0 : i32
        %dma_start3A_323 = tpu.memref_slice %arg2[%add3A_310, %dma_start3A_322] : memref<4096x4096xf32, #tpu.memory_space<hbm>> -> memref<4x4096xf32, #tpu.memory_space<hbm>>
        tpu.enqueue_dma source(%dma_start3A_323 : memref<4x4096xf32, #tpu.memory_space<hbm>>) target(%dma_start3A_321 : memref<4x4096xf32, #tpu.memory_space<vmem>>) target_semaphore(%arg10 : memref<!tpu.dma_semaphore, #tpu.memory_space<semaphore_mem>>)
      } else {
      }
      %mul3A_252 = arith.constant 4 : i32
      %mul3A_253 = arith.muli %scan3A_97, %mul3A_252 : i32
      %add3A_254 = arith.constant 3 : i32
      %add3A_255 = arith.addi %mul3A_253, %add3A_254 : i32
      %mul3A_256 = arith.constant 4 : i32
      %mul3A_257 = arith.muli %add3A_255, %mul3A_256 : i32
      %add3A_258 = arith.addi %mul3A_2, %mul3A_257 : i32
      %dma_wait3A_259 = arith.constant 3 : i32
      %dma_wait3A_260 = arith.constant 0 : i32
      %dma_wait3A_261 = arith.constant 0 : i32
      %dma_wait3A_262 = tpu.memref_slice %arg6[%dma_wait3A_259, %dma_wait3A_260, %dma_wait3A_261] : memref<4x4x4096xf32, #tpu.memory_space<vmem>> -> memref<1x4x4096xf32, #tpu.memory_space<vmem>>
      %dma_wait3A_263 = tpu.memref_squeeze %dma_wait3A_262 : memref<1x4x4096xf32, #tpu.memory_space<vmem>> -> memref<4x4096xf32, #tpu.memory_space<vmem>>
      %dma_wait3A_264 = arith.constant 0 : i32
      %dma_wait3A_265 = tpu.memref_slice %arg2[%add3A_258, %dma_wait3A_264] : memref<4096x4096xf32, #tpu.memory_space<hbm>> -> memref<4x4096xf32, #tpu.memory_space<hbm>>
      %dma_wait3A_266 = arith.constant 0 : i32
      %dma_wait3A_267 = arith.constant 0 : i32
      %dma_wait3A_268 = tpu.memref_slice %arg6[%dma_wait3A_259, %dma_wait3A_266, %dma_wait3A_267] : memref<4x4x4096xf32, #tpu.memory_space<vmem>> -> memref<1x4x4096xf32, #tpu.memory_space<vmem>>
      %dma_wait3A_269 = tpu.memref_squeeze %dma_wait3A_268 : memref<1x4x4096xf32, #tpu.memory_space<vmem>> -> memref<4x4096xf32, #tpu.memory_space<vmem>>
      %dma_wait3A_270 = arith.constant 0 : i32
      %dma_wait3A_271 = tpu.memref_slice %arg2[%add3A_258, %dma_wait3A_270] : memref<4096x4096xf32, #tpu.memory_space<hbm>> -> memref<4x4096xf32, #tpu.memory_space<hbm>>
      tpu.wait_dma2 semaphore(%arg11 : memref<!tpu.dma_semaphore, #tpu.memory_space<semaphore_mem>>) src(%dma_wait3A_271 : memref<4x4096xf32, #tpu.memory_space<hbm>>) dst(%dma_wait3A_269 : memref<4x4096xf32, #tpu.memory_space<vmem>>)
      %ge3A_272 = arith.constant 2 : i32
      %ge3A_273 = arith.cmpi sge, %add3A_255, %ge3A_272 : i32
      %convert_element_type3A_274 = arith.extui %ge3A_273 : i1 to i32
      %cond3A_275 = arith.constant 0 : i32
      %cond3A_276 = arith.cmpi ne, %convert_element_type3A_274, %cond3A_275 : i32
      scf.if %cond3A_276 {
        %sub3A = arith.constant 2 : i32
        %sub3A_306 = arith.subi %add3A_255, %sub3A : i32
        %mul3A_307 = arith.constant 4 : i32
        %mul3A_308 = arith.muli %sub3A_306, %mul3A_307 : i32
        %add3A_309 = arith.addi %mul3A_2, %mul3A_308 : i32
        %dma_wait3A_310 = arith.constant 1 : i32
        %dma_wait3A_311 = arith.constant 0 : i32
        %dma_wait3A_312 = arith.constant 0 : i32
        %dma_wait3A_313 = tpu.memref_slice %arg7[%dma_wait3A_310, %dma_wait3A_311, %dma_wait3A_312] : memref<2x4x4096xf32, #tpu.memory_space<vmem>> -> memref<1x4x4096xf32, #tpu.memory_space<vmem>>
        %dma_wait3A_314 = tpu.memref_squeeze %dma_wait3A_313 : memref<1x4x4096xf32, #tpu.memory_space<vmem>> -> memref<4x4096xf32, #tpu.memory_space<vmem>>
        %dma_wait3A_315 = arith.constant 0 : i32
        %dma_wait3A_316 = tpu.memref_slice %arg4[%add3A_309, %dma_wait3A_315] : memref<4096x4096xf32, #tpu.memory_space<hbm>> -> memref<4x4096xf32, #tpu.memory_space<hbm>>
        %dma_wait3A_317 = arith.constant 0 : i32
        %dma_wait3A_318 = tpu.memref_slice %arg4[%add3A_309, %dma_wait3A_317] : memref<4096x4096xf32, #tpu.memory_space<hbm>> -> memref<4x4096xf32, #tpu.memory_space<hbm>>
        %dma_wait3A_319 = arith.constant 0 : i32
        %dma_wait3A_320 = arith.constant 0 : i32
        %dma_wait3A_321 = tpu.memref_slice %arg7[%dma_wait3A_310, %dma_wait3A_319, %dma_wait3A_320] : memref<2x4x4096xf32, #tpu.memory_space<vmem>> -> memref<1x4x4096xf32, #tpu.memory_space<vmem>>
        %dma_wait3A_322 = tpu.memref_squeeze %dma_wait3A_321 : memref<1x4x4096xf32, #tpu.memory_space<vmem>> -> memref<4x4096xf32, #tpu.memory_space<vmem>>
        tpu.wait_dma2 semaphore(%arg13 : memref<!tpu.dma_semaphore, #tpu.memory_space<semaphore_mem>>) src(%dma_wait3A_322 : memref<4x4096xf32, #tpu.memory_space<vmem>>) dst(%dma_wait3A_318 : memref<4x4096xf32, #tpu.memory_space<hbm>>)
      } else {
      }
      %broadcast_in_dim3A_277 = arith.constant 3 : i32
      %broadcast_in_dim3A_278 = vector.broadcast %broadcast_in_dim3A_277 : i32 to vector<16xi32>
      %parallel_loop3A_279 = arith.constant 0 : i32
      %parallel_loop3A_280 = arith.constant 4096 : i32
      %parallel_loop3A_281 = arith.constant 16 : i32
      scf.for %parallel_loop3A_306 = %parallel_loop3A_279 to %parallel_loop3A_280 step %parallel_loop3A_281  : i32 {
        %parallel_loop3A_307 = arith.index_cast %parallel_loop3A_306 : i32 to index
        %parallel_loop3A_308 = tpu.vector_load %arg5[%parallel_loop3A_307] {strides = array<i32>} : memref<4096xi32, #tpu.memory_space<vmem>>, vector<16xi32>,
        %parallel_loop3A_309 = arith.constant 0 : i32
        %parallel_loop3A_310 = vector.broadcast %parallel_loop3A_309 : i32 to vector<16xi32>
        %parallel_loop3A_311 = tpu.vector_load_idx %arg6[%broadcast_in_dim3A_278, %parallel_loop3A_310, %parallel_loop3A_308] : memref<4x4x4096xf32, #tpu.memory_space<vmem>>[vector<16xi32>, vector<16xi32>, vector<16xi32>], vector<16xf32>,
        %parallel_loop3A_312 = arith.constant 1 : i32
        %parallel_loop3A_313 = arith.constant 0 : i32
        %parallel_loop3A_314 = arith.index_cast %parallel_loop3A_312 : i32 to index
        %parallel_loop3A_315 = arith.index_cast %parallel_loop3A_313 : i32 to index
        %parallel_loop3A_316 = arith.index_cast %parallel_loop3A_306 : i32 to index
        %parallel_loop3A_317 = tpu.vector_load %arg7[%parallel_loop3A_314, %parallel_loop3A_315, %parallel_loop3A_316] {strides = array<i32>} : memref<2x4x4096xf32, #tpu.memory_space<vmem>>, vector<16xf32>,
        tpu.vector_store %arg7[%parallel_loop3A_314, %parallel_loop3A_315, %parallel_loop3A_316], %parallel_loop3A_311 {strides = array<i32>} : memref<2x4x4096xf32, #tpu.memory_space<vmem>>, vector<16xf32>,
        %parallel_loop3A_318 = arith.constant 1 : i32
        %parallel_loop3A_319 = vector.broadcast %parallel_loop3A_318 : i32 to vector<16xi32>
        %parallel_loop3A_320 = tpu.vector_load_idx %arg6[%broadcast_in_dim3A_278, %parallel_loop3A_319, %parallel_loop3A_308] : memref<4x4x4096xf32, #tpu.memory_space<vmem>>[vector<16xi32>, vector<16xi32>, vector<16xi32>], vector<16xf32>,
        %parallel_loop3A_321 = arith.constant 1 : i32
        %parallel_loop3A_322 = arith.constant 1 : i32
        %parallel_loop3A_323 = arith.index_cast %parallel_loop3A_321 : i32 to index
        %parallel_loop3A_324 = arith.index_cast %parallel_loop3A_322 : i32 to index
        %parallel_loop3A_325 = arith.index_cast %parallel_loop3A_306 : i32 to index
        %parallel_loop3A_326 = tpu.vector_load %arg7[%parallel_loop3A_323, %parallel_loop3A_324, %parallel_loop3A_325] {strides = array<i32>} : memref<2x4x4096xf32, #tpu.memory_space<vmem>>, vector<16xf32>,
        tpu.vector_store %arg7[%parallel_loop3A_323, %parallel_loop3A_324, %parallel_loop3A_325], %parallel_loop3A_320 {strides = array<i32>} : memref<2x4x4096xf32, #tpu.memory_space<vmem>>, vector<16xf32>,
        %parallel_loop3A_327 = arith.constant 2 : i32
        %parallel_loop3A_328 = vector.broadcast %parallel_loop3A_327 : i32 to vector<16xi32>
        %parallel_loop3A_329 = tpu.vector_load_idx %arg6[%broadcast_in_dim3A_278, %parallel_loop3A_328, %parallel_loop3A_308] : memref<4x4x4096xf32, #tpu.memory_space<vmem>>[vector<16xi32>, vector<16xi32>, vector<16xi32>], vector<16xf32>,
        %parallel_loop3A_330 = arith.constant 1 : i32
        %parallel_loop3A_331 = arith.constant 2 : i32
        %parallel_loop3A_332 = arith.index_cast %parallel_loop3A_330 : i32 to index
        %parallel_loop3A_333 = arith.index_cast %parallel_loop3A_331 : i32 to index
        %parallel_loop3A_334 = arith.index_cast %parallel_loop3A_306 : i32 to index
        %parallel_loop3A_335 = tpu.vector_load %arg7[%parallel_loop3A_332, %parallel_loop3A_333, %parallel_loop3A_334] {strides = array<i32>} : memref<2x4x4096xf32, #tpu.memory_space<vmem>>, vector<16xf32>,
        tpu.vector_store %arg7[%parallel_loop3A_332, %parallel_loop3A_333, %parallel_loop3A_334], %parallel_loop3A_329 {strides = array<i32>} : memref<2x4x4096xf32, #tpu.memory_space<vmem>>, vector<16xf32>,
        %parallel_loop3A_336 = arith.constant 3 : i32
        %parallel_loop3A_337 = vector.broadcast %parallel_loop3A_336 : i32 to vector<16xi32>
        %parallel_loop3A_338 = tpu.vector_load_idx %arg6[%broadcast_in_dim3A_278, %parallel_loop3A_337, %parallel_loop3A_308] : memref<4x4x4096xf32, #tpu.memory_space<vmem>>[vector<16xi32>, vector<16xi32>, vector<16xi32>], vector<16xf32>,
        %parallel_loop3A_339 = arith.constant 1 : i32
        %parallel_loop3A_340 = arith.constant 3 : i32
        %parallel_loop3A_341 = arith.index_cast %parallel_loop3A_339 : i32 to index
        %parallel_loop3A_342 = arith.index_cast %parallel_loop3A_340 : i32 to index
        %parallel_loop3A_343 = arith.index_cast %parallel_loop3A_306 : i32 to index
        %parallel_loop3A_344 = tpu.vector_load %arg7[%parallel_loop3A_341, %parallel_loop3A_342, %parallel_loop3A_343] {strides = array<i32>} : memref<2x4x4096xf32, #tpu.memory_space<vmem>>, vector<16xf32>,
        tpu.vector_store %arg7[%parallel_loop3A_341, %parallel_loop3A_342, %parallel_loop3A_343], %parallel_loop3A_338 {strides = array<i32>} : memref<2x4x4096xf32, #tpu.memory_space<vmem>>, vector<16xf32>,
      } {sc.loop_unroll_factor = 8 : i64, sc.parallel_access}
      %mul3A_282 = arith.constant 4 : i32
      %mul3A_283 = arith.muli %add3A_255, %mul3A_282 : i32
      %add3A_284 = arith.addi %mul3A_2, %mul3A_283 : i32
      %dma_start3A_285 = arith.constant 1 : i32
      %dma_start3A_286 = arith.constant 0 : i32
      %dma_start3A_287 = arith.constant 0 : i32
      %dma_start3A_288 = tpu.memref_slice %arg7[%dma_start3A_285, %dma_start3A_286, %dma_start3A_287] : memref<2x4x4096xf32, #tpu.memory_space<vmem>> -> memref<1x4x4096xf32, #tpu.memory_space<vmem>>
      %dma_start3A_289 = tpu.memref_squeeze %dma_start3A_288 : memref<1x4x4096xf32, #tpu.memory_space<vmem>> -> memref<4x4096xf32, #tpu.memory_space<vmem>>
      %dma_start3A_290 = arith.constant 0 : i32
      %dma_start3A_291 = tpu.memref_slice %arg4[%add3A_284, %dma_start3A_290] : memref<4096x4096xf32, #tpu.memory_space<hbm>> -> memref<4x4096xf32, #tpu.memory_space<hbm>>
      %dma_start3A_292 = arith.constant 0 : i32
      %dma_start3A_293 = tpu.memref_slice %arg4[%add3A_284, %dma_start3A_292] : memref<4096x4096xf32, #tpu.memory_space<hbm>> -> memref<4x4096xf32, #tpu.memory_space<hbm>>
      %dma_start3A_294 = arith.constant 0 : i32
      %dma_start3A_295 = arith.constant 0 : i32
      %dma_start3A_296 = tpu.memref_slice %arg7[%dma_start3A_285, %dma_start3A_294, %dma_start3A_295] : memref<2x4x4096xf32, #tpu.memory_space<vmem>> -> memref<1x4x4096xf32, #tpu.memory_space<vmem>>
      %dma_start3A_297 = tpu.memref_squeeze %dma_start3A_296 : memref<1x4x4096xf32, #tpu.memory_space<vmem>> -> memref<4x4096xf32, #tpu.memory_space<vmem>>
      tpu.enqueue_dma source(%dma_start3A_297 : memref<4x4096xf32, #tpu.memory_space<vmem>>) target(%dma_start3A_293 : memref<4x4096xf32, #tpu.memory_space<hbm>>) target_semaphore(%arg13 : memref<!tpu.dma_semaphore, #tpu.memory_space<semaphore_mem>>)
      %add3A_298 = arith.constant 4 : i32
      %add3A_299 = arith.addi %add3A_255, %add3A_298 : i32
      %lt3A_300 = arith.constant 32 : i32
      %lt3A_301 = arith.cmpi slt, %add3A_299, %lt3A_300 : i32
      %convert_element_type3A_302 = arith.extui %lt3A_301 : i1 to i32
      %cond3A_303 = arith.constant 0 : i32
      %cond3A_304 = arith.cmpi ne, %convert_element_type3A_302, %cond3A_303 : i32
      scf.if %cond3A_304 {
        %add3A_306 = arith.constant 4 : i32
        %add3A_307 = arith.addi %add3A_255, %add3A_306 : i32
        %mul3A_308 = arith.constant 4 : i32
        %mul3A_309 = arith.muli %add3A_307, %mul3A_308 : i32
        %add3A_310 = arith.addi %mul3A_2, %mul3A_309 : i32
        %dma_start3A_311 = arith.constant 3 : i32
        %dma_start3A_312 = arith.constant 0 : i32
        %dma_start3A_313 = arith.constant 0 : i32
        %dma_start3A_314 = tpu.memref_slice %arg6[%dma_start3A_311, %dma_start3A_312, %dma_start3A_313] : memref<4x4x4096xf32, #tpu.memory_space<vmem>> -> memref<1x4x4096xf32, #tpu.memory_space<vmem>>
        %dma_start3A_315 = tpu.memref_squeeze %dma_start3A_314 : memref<1x4x4096xf32, #tpu.memory_space<vmem>> -> memref<4x4096xf32, #tpu.memory_space<vmem>>
        %dma_start3A_316 = arith.constant 0 : i32
        %dma_start3A_317 = tpu.memref_slice %arg2[%add3A_310, %dma_start3A_316] : memref<4096x4096xf32, #tpu.memory_space<hbm>> -> memref<4x4096xf32, #tpu.memory_space<hbm>>
        %dma_start3A_318 = arith.constant 0 : i32
        %dma_start3A_319 = arith.constant 0 : i32
        %dma_start3A_320 = tpu.memref_slice %arg6[%dma_start3A_311, %dma_start3A_318, %dma_start3A_319] : memref<4x4x4096xf32, #tpu.memory_space<vmem>> -> memref<1x4x4096xf32, #tpu.memory_space<vmem>>
        %dma_start3A_321 = tpu.memref_squeeze %dma_start3A_320 : memref<1x4x4096xf32, #tpu.memory_space<vmem>> -> memref<4x4096xf32, #tpu.memory_space<vmem>>
        %dma_start3A_322 = arith.constant 0 : i32
        %dma_start3A_323 = tpu.memref_slice %arg2[%add3A_310, %dma_start3A_322] : memref<4096x4096xf32, #tpu.memory_space<hbm>> -> memref<4x4096xf32, #tpu.memory_space<hbm>>
        tpu.enqueue_dma source(%dma_start3A_323 : memref<4x4096xf32, #tpu.memory_space<hbm>>) target(%dma_start3A_321 : memref<4x4096xf32, #tpu.memory_space<vmem>>) target_semaphore(%arg11 : memref<!tpu.dma_semaphore, #tpu.memory_space<semaphore_mem>>)
      } else {
      }
      %scan3A_305 = arith.constant 0 : i32
      scf.yield %scan3A_305 : i32
    }
    %scan3A_67 = arith.constant 8 : i32
    %add3A_68 = arith.constant 120 : i32
    %add3A_69 = arith.addi %mul3A_2, %add3A_68 : i32
    %dma_wait3A = arith.constant 0 : i32
    %dma_wait3A_70 = arith.constant 0 : i32
    %dma_wait3A_71 = arith.constant 0 : i32
    %dma_wait3A_72 = tpu.memref_slice %arg7[%dma_wait3A, %dma_wait3A_70, %dma_wait3A_71] : memref<2x4x4096xf32, #tpu.memory_space<vmem>> -> memref<1x4x4096xf32, #tpu.memory_space<vmem>>
    %dma_wait3A_73 = tpu.memref_squeeze %dma_wait3A_72 : memref<1x4x4096xf32, #tpu.memory_space<vmem>> -> memref<4x4096xf32, #tpu.memory_space<vmem>>
    %dma_wait3A_74 = arith.constant 0 : i32
    %dma_wait3A_75 = tpu.memref_slice %arg4[%add3A_69, %dma_wait3A_74] : memref<4096x4096xf32, #tpu.memory_space<hbm>> -> memref<4x4096xf32, #tpu.memory_space<hbm>>
    %dma_wait3A_76 = arith.constant 0 : i32
    %dma_wait3A_77 = tpu.memref_slice %arg4[%add3A_69, %dma_wait3A_76] : memref<4096x4096xf32, #tpu.memory_space<hbm>> -> memref<4x4096xf32, #tpu.memory_space<hbm>>
    %dma_wait3A_78 = arith.constant 0 : i32
    %dma_wait3A_79 = arith.constant 0 : i32
    %dma_wait3A_80 = tpu.memref_slice %arg7[%dma_wait3A, %dma_wait3A_78, %dma_wait3A_79] : memref<2x4x4096xf32, #tpu.memory_space<vmem>> -> memref<1x4x4096xf32, #tpu.memory_space<vmem>>
    %dma_wait3A_81 = tpu.memref_squeeze %dma_wait3A_80 : memref<1x4x4096xf32, #tpu.memory_space<vmem>> -> memref<4x4096xf32, #tpu.memory_space<vmem>>
    tpu.wait_dma2 semaphore(%arg12 : memref<!tpu.dma_semaphore, #tpu.memory_space<semaphore_mem>>) src(%dma_wait3A_81 : memref<4x4096xf32, #tpu.memory_space<vmem>>) dst(%dma_wait3A_77 : memref<4x4096xf32, #tpu.memory_space<hbm>>)
    %add3A_82 = arith.constant 124 : i32
    %add3A_83 = arith.addi %mul3A_2, %add3A_82 : i32
    %dma_wait3A_84 = arith.constant 1 : i32
    %dma_wait3A_85 = arith.constant 0 : i32
    %dma_wait3A_86 = arith.constant 0 : i32
    %dma_wait3A_87 = tpu.memref_slice %arg7[%dma_wait3A_84, %dma_wait3A_85, %dma_wait3A_86] : memref<2x4x4096xf32, #tpu.memory_space<vmem>> -> memref<1x4x4096xf32, #tpu.memory_space<vmem>>
    %dma_wait3A_88 = tpu.memref_squeeze %dma_wait3A_87 : memref<1x4x4096xf32, #tpu.memory_space<vmem>> -> memref<4x4096xf32, #tpu.memory_space<vmem>>
    %dma_wait3A_89 = arith.constant 0 : i32
    %dma_wait3A_90 = tpu.memref_slice %arg4[%add3A_83, %dma_wait3A_89] : memref<4096x4096xf32, #tpu.memory_space<hbm>> -> memref<4x4096xf32, #tpu.memory_space<hbm>>
    %dma_wait3A_91 = arith.constant 0 : i32
    %dma_wait3A_92 = tpu.memref_slice %arg4[%add3A_83, %dma_wait3A_91] : memref<4096x4096xf32, #tpu.memory_space<hbm>> -> memref<4x4096xf32, #tpu.memory_space<hbm>>
    %dma_wait3A_93 = arith.constant 0 : i32
    %dma_wait3A_94 = arith.constant 0 : i32
    %dma_wait3A_95 = tpu.memref_slice %arg7[%dma_wait3A_84, %dma_wait3A_93, %dma_wait3A_94] : memref<2x4x4096xf32, #tpu.memory_space<vmem>> -> memref<1x4x4096xf32, #tpu.memory_space<vmem>>
    %dma_wait3A_96 = tpu.memref_squeeze %dma_wait3A_95 : memref<1x4x4096xf32, #tpu.memory_space<vmem>> -> memref<4x4096xf32, #tpu.memory_space<vmem>>
    tpu.wait_dma2 semaphore(%arg13 : memref<!tpu.dma_semaphore, #tpu.memory_space<semaphore_mem>>) src(%dma_wait3A_96 : memref<4x4096xf32, #tpu.memory_space<vmem>>) dst(%dma_wait3A_92 : memref<4x4096xf32, #tpu.memory_space<hbm>>)
    return
  }
}

</mosaic_0001>

<sc_bundles>
// kernel: kernel.3.cloned.1.call-start
scs
__scs_entry_jumppad:
0x0: {  	(pc) =	sbr.rel $0x88, $3  }
0x1: {  	(tag) =	ssettag $0x0;
	lr =	simm.s32 $0x1  }
0x2: {  	[smem:$0x3FA0] =	sst lr;
	_ =	strace $0xD0000000  }
0x3: {  	_ = 	snop  }
0x4: {  	_ = 	snop  }
0x5: {  	_ = 	snop  }
0x6: {  	_ = 	snop  }
0x7: {  	_ = 	snop  }
__scs_overlays_trampoline_lowered:
0x8: {  	[smem:$0x3FAF] =	sst s0  }
0x9: {  	[smem:$0x3FB0] =	sst s1  }
0xa: {  	[smem:$0x3FB1] =	sst s2  }
0xb: {  	[smem:$0x3FB2] =	sst s3  }
0xc: {  	[smem:$0x3FB3] =	sst s4  }
0xd: {  	[smem:$0x3FB4] =	sst s5  }
0xe: {  	[smem:$0x3FB5] =	sst s6  }
0xf: {  	[smem:$0x3FB6] =	sst s7  }
0x10: {  	[smem:$0x3FB7] =	sst s8  }
0x11: {  	[smem:$0x3FB8] =	sst s9;
	s0 =	simm.s32 @!p0 $0x0  }
0x12: {  	s1 =	sld [smem:$0x3F9E];
	s0 =	simm.s32 @p0 $0x1  }
0x13: {  	[smem:$0x3FB9] =	sst s0;
	s0 =	simm.s32 @!p1 $0x0  }
0x14: {  	s2 =	sld [smem:$0x3F9D];
	s0 =	simm.s32 @p1 $0x1  }
0x15: {  	[smem:$0x3FBA] =	sst s0;
	s0 =	simm.s32 @!p2 $0x0  }
0x16: {  	s3 =	sld [smem:$0x3FDB];
	s0 =	simm.s32 @p2 $0x1  }
0x17: {  	s4 =	simm.s32 $0x1BF5;
	[smem:$0x3FBC] =	sst s0  }
0x18: {  	s0 =	sld [smem:$0x3F9F];
	_ =	swait.ge [sflag:s4], $0x0  }
0x19: {  	s7 =	sld [smem:$0x3FA0]  }
0x1a: {  	s8 =	sadd.s32 $0xFFFFE003, lr  }
0x1b: {  	s9 =	sadd.s32 $0xFFFFFEF7, lr;
	s5 =	simm.s32 $0xFFFFFFFF;
	p2 =	slt.u32 s8, $0xFFFFF086  }
0x1c: {  	p1 =	slt.u32 s9, $0xF7A;
	s5 =	simm.s32 @!p2 $0x0  }
0x1d: {  	s5 =	simm.s32 @p1 $0x1;
	p0 =	seq.s32 s7, s2  }
0x1e: {  	s7 =	smul.u32 @!p0 $0xF7A, s2;
	p2 =	seq.s32 @!p0 s5, $0x0  }
0x1f: {  	s9 =	smul.u32 $0xF7A, s1;
	s8 =	simm.s32 @!p0 $0x1BF5;
	p2 =	por !p2, p0  }
0x20: {  	[sflag:s8] =	ssyncset.s32 @!p0 $0xFFFFF086;
	s6 =	sadd.s32 @!p0 s3, s7;
	s7 =	simm.s32 @!p0 $0x108  }
0x21: {  	s3 =	sadd.s32 s3, s9;
	s6 =	sadd.s32 @!p0 $0x88, s6;
	s7 =	simm.s32 @p2 $0x1082  }
0x22: {  	[simem:s7], [sflag:s8] =	dma.local @!p0 [hbm:s6], $0xF7A  }
0x23: {  	s9 =	sor.u32 $0xD0000000, s2;
	s6 =	simm.s32 $0x108;
	_ =	swait.ge @!p0 [sflag:s8], $0x0  }
0x24: {  	s3 =	sadd.s32 $0x88, s3;
	s6 =	simm.s32 @!p1 $0x1082;
	[sflag:s4] =	ssyncset.s32 $0xFFFFF086  }
0x25: {  	[simem:s6], [sflag:s4] =	dma.local [hbm:s3], $0xF7A  }
0x26: {  	[smem:$0x3FA0] =	sst s1;
	(tag) =	ssettag s2;
	_ =	strace s9  }
0x27: {  	s1 =	sld [smem:$0x3FB0]  }
0x28: {  	s2 =	sld [smem:$0x3FB1]  }
0x29: {  	s4 =	sld [smem:$0x3FB3]  }
0x2a: {  	p0 =	seq.s32 s5, $0x0;
	s5 =	sld [smem:$0x3FB4]  }
0x2b: {  	s6 =	sld [smem:$0x3FB5]  }
0x2c: {  	s7 =	sld [smem:$0x3FB6]  }
0x2d: {  	s3 =	simm.s32 $0x108;
	s8 =	sld [smem:$0x3FB7]  }
0x2e: {  	s3 =	simm.s32 @!p0 $0x1082;
	s9 =	sld [smem:$0x3FB8]  }
0x2f: {  	lr =	sadd.s32 s0, s3;
	s0 =	sld [smem:$0x3FAF]  }
0x30: {  	s3 =	sld [smem:$0x3FB2]  }
0x31: {  	[smem:$0x3FBB] =	sst s10  }
0x32: {  	s10 =	sld [smem:$0x3FB9];
	_ =	sdelay $0x3  }
0x33: {  	p0 =	seq.s32 s10, $0x1;
	s10 =	sld [smem:$0x3FBB];
	_ =	sdelay $0x3  }
0x34: {  	[smem:$0x3FBB] =	sst s10  }
0x35: {  	s10 =	sld [smem:$0x3FBA];
	_ =	sdelay $0x3  }
0x36: {  	p1 =	seq.s32 s10, $0x1;
	s10 =	sld [smem:$0x3FBB];
	_ =	sdelay $0x3  }
0x37: {  	[smem:$0x3FBB] =	sst s10  }
0x38: {  	s10 =	sld [smem:$0x3FBC]  }
0x39: {  	_ = 	snop;
	(pc) =	sbr.ind lr, $3  }
0x3a: {  	_ = 	snop  }
0x3b: {  	_ = 	snop  }
0x3c: {  	p2 =	seq.s32 s10, $0x1;
	s10 =	sld [smem:$0x3FBB]  }
0x3d: {  	_ =	shalt  }
0x3e: {  	_ =	shalt  }
0x3f: {  	_ =	shalt  }
0x40: {  	_ =	shalt  }
0x41: {  	_ =	shalt  }
0x42: {  	_ =	shalt  }
0x43: {  	_ =	shalt  }
0x44: {  	_ =	shalt  }
0x45: {  	_ =	shalt  }
0x46: {  	_ =	shalt  }
0x47: {  	_ =	shalt  }
0x48: {  	_ =	shalt  }
0x49: {  	_ =	shalt  }
0x4a: {  	_ =	shalt  }
0x4b: {  	_ =	shalt  }
0x4c: {  	_ =	shalt  }
0x4d: {  	_ =	shalt  }
0x4e: {  	_ =	shalt  }
0x4f: {  	_ =	shalt  }
0x50: {  	_ =	shalt  }
0x51: {  	_ =	shalt  }
0x52: {  	_ =	shalt  }
0x53: {  	_ =	shalt  }
0x54: {  	_ =	shalt  }
0x55: {  	_ =	shalt  }
0x56: {  	_ =	shalt  }
0x57: {  	_ =	shalt  }
0x58: {  	_ =	shalt  }
0x59: {  	_ =	shalt  }
0x5a: {  	_ =	shalt  }
0x5b: {  	_ =	shalt  }
0x5c: {  	_ =	shalt  }
0x5d: {  	_ =	shalt  }
0x5e: {  	_ =	shalt  }
0x5f: {  	_ =	shalt  }
0x60: {  	_ =	shalt  }
0x61: {  	_ =	shalt  }
0x62: {  	_ =	shalt  }
0x63: {  	_ =	shalt  }
0x64: {  	_ =	shalt  }
0x65: {  	_ =	shalt  }
0x66: {  	_ =	shalt  }
0x67: {  	_ =	shalt  }
0x68: {  	_ =	shalt  }
0x69: {  	_ =	shalt  }
0x6a: {  	_ =	shalt  }
0x6b: {  	_ =	shalt  }
0x6c: {  	_ =	shalt  }
0x6d: {  	_ =	shalt  }
0x6e: {  	_ =	shalt  }
0x6f: {  	_ =	shalt  }
0x70: {  	_ =	shalt  }
0x71: {  	_ =	shalt  }
0x72: {  	_ =	shalt  }
0x73: {  	_ =	shalt  }
0x74: {  	_ =	shalt  }
0x75: {  	_ =	shalt  }
0x76: {  	_ =	shalt  }
0x77: {  	_ =	shalt  }
0x78: {  	_ =	shalt  }
0x79: {  	_ =	shalt  }
0x7a: {  	_ =	shalt  }
0x7b: {  	_ =	shalt  }
0x7c: {  	_ =	shalt  }
0x7d: {  	_ =	shalt  }
0x7e: {  	_ =	shalt  }
0x7f: {  	_ =	shalt  }
0x80: {  	_ =	shalt  }
0x81: {  	_ =	shalt  }
0x82: {  	_ =	shalt  }
0x83: {  	_ =	shalt  }
0x84: {  	_ =	shalt  }
0x85: {  	_ =	shalt  }
0x86: {  	_ =	shalt  }
0x87: {  	_ =	shalt  }
.Lfunc_end0:
.L_simem_size_0:
called_computation_lowered:
.L_overlay_start_0:
0x88: {  	s2 =	sld [smem:$0x3FD9]  }
0x89: {  	s3 =	sld [smem:$0x3FFE];
	_ =	sdelay $0x1  }
0x8a: {  	s1 =	srdreg.scid  }
0x8b: {  	s0 =	sand.u32 $0x1, s1  }
0x8c: {  	s17 =	sshll.u32 s0, $0xA;
	s2 =	sadd.s32 s3, s2  }
0x8d: {  	s2 =	sadd.s32 s2, s17  }
0x8e: {  	[smem:$0x3FC7] =	sst s2  }
0x8f: {  	_ = 	snop  }
0x90: {  	s2 =	sld [smem:$0x3FC9]  }
0x91: {  	s18 =	sld [smem:$0x3FD0];
	(tm) =	ssettm $0x1  }
0x92: {  	s4 =	sld [smem:$0x3FFB];
	_ =	sdelay $0x3  }
0x93: {  	_ =	strace s4  }
0x94: {  	s4 =	sld [smem:$0x3FFC];
	_ =	sdelay $0x3  }
0x95: {  	_ =	strace s4  }
0x96: {  	s4 =	sld [smem:$0x3FFD];
	_ =	sdelay $0x3  }
0x97: {  	_ =	strace s4  }
0x98: {  	_ =	strace $0x8FFFFFFF  }
0x99: {  	s19 =	sld [smem:$0x3FDB];
	_ =	sdelay $0x1  }
0x9a: {  	s5 =	simm.s32 $_scs_section_size  }
0x9b: {  	s6 =	simm.s32 $_size__tile_overlayer_lowered;
	s7 =	simm.s32 $_tile_overlayer_lowered  }
0x9c: {  	s22 =	simm.s32 $0x1BFF;
	s21 =	sshll.u32 s7, $0x1;
	s4 =	sadd.s32 s5, s19  }
0x9d: {  	s8 =	simm.s32 $0x0;
	s20 =	sshll.u32 s6, $0x1;
	s6 =	sadd.s32 s21, s4  }
0x9e: {  	[timem:s8], [sflag:s22] =	dma.local [hbm:s6], s20  }
0x9f: {  	_ =	swait.ge [sflag:s22], s20  }
0xa0: {  	s5 =	ssub.s32 $0x0, s20;
	[sflag:s22] =	ssyncset.done $0x0  }
0xa1: {  	[sflag:s22] =	ssyncadd.s32 s5;
	_ =	sdelay $0x1  }
0xa2: {  	s23 =	simm.s32 $0x1B8B  }
0xa3: {  	_ =	swait.ge [sflag:s23], $0x1  }
0xa4: {  	[sflag:s23] =	ssyncset.done $0x0  }
0xa5: {  	s25 =	simm.s32 $0x1B8E;
	s24 =	sld [smem:$0x3FFE];
	[sflag:s23] =	ssyncadd.s32 $0xFFFFFFFF  }
0xa6: {  	s26 =	simm.s32 $execute0_lowered;
	[smem:$0x3FD2] =	sst s25  }
0xa7: {  	s6 =	sshll.u32 s26, $0x1;
	_ =	strace $0x80000046;
	[dreg:$0x1] =	wrdreg $0xFFFFFFFF  }
0xa8: {  	s28 =	simm.s32 $_size_execute0_lowered;
	s4 =	sadd.s32 s4, s6;
	[dreg:$0x0] =	wrdreg $0x0  }
0xa9: {  	s6 =	sshll.u32 s28, $0x1;
	[dreg:$0x2] =	wrdreg s4  }
0xaa: {  	[dreg:$0x3] =	wrdreg s6  }
0xab: {  	[dreg:$0x4] =	wrdreg $0xC0  }
0xac: {  	_ =	task [dreg:s8], $0x5FFFF  }
0xad: {  	[dreg:$0x1] =	wrdreg $0xFFFFFFFF  }
0xae: {  	[dreg:$0x0] =	wrdreg $0x60  }
0xaf: {  	[dreg:$0x2] =	wrdreg s2  }
0xb0: {  	[dreg:$0x3] =	wrdreg s24  }
0xb1: {  	[dreg:$0x4] =	wrdreg s18  }
0xb2: {  	[dreg:$0x5] =	wrdreg $0x9  }
0xb3: {  	_ =	task.clear_ibuf [dreg:s8], $0x6FFFF;
	_ =	strace $0x90000046  }
0xb4: {  	s29 =	simm.s32 $0x9;
	_ =	strace $0x80000048  }
0xb5: {  	_ =	swait.ge [sflag:s29], $0x1  }
0xb6: {  	[sflag:s29] =	ssyncadd.s32 $0xFFFFFFFF  }
0xb7: {  	_ =	strace $0x90000048  }
0xb8: {  	_ =	sfence  }
0xb9: {  	s30 =	sld [smem:$0x0];
	_ =	sdelay $0x2  }
0xba: {  	s31 =	sshll.u32 s1, $0xD;
	s1 =	sshrl.u32 s1, $0x2  }
0xbb: {  	s3 =	sand.u32 $0x4000, s31;
	s1 =	sadd.s32 s1, s30  }
0xbc: {  	s0 =	sor.u32 s3, s0;
	s1 =	sshll.u32 s1, $0x11  }
0xbd: {  	s0 =	sor.u32 s1, s0  }
0xbe: {  	s0 =	sadd.s32 $0x8F2B, s0  }
0xbf: {  	[sflag:s0] =	ssyncadd.remote.s32 $0x1  }
0xc0: {  	_ =	sfence.sel $0xFFFF  }
0xc1: {  	[dreg:$0x0] =	wrdreg $0xFFFFFFFF;
	(pc) =	sbr.abs _section_cstart, $3  }
0xc2: {  	[dreg:$0x1] =	wrdreg $0xFFFFFFFF  }
0xc3: {  	_ =	task.clear_ibuf [dreg:s8], $0x2FFFF;
	_ =	strace $0x9FFFFFFF  }
0xc4: {  	(tm) =	ssettm $0x7FFFFFFF  }
0xc5: {  	_ =	shalt  }
tec
execute0_lowered:
.L_overlay_start_1:
0x0: {  	(tag) =	ssettag $0x1  }
0x1: {  	s0 =	rddreg [dreg:$0x0]  }
0x2: {  	s2 =	rddreg [dreg:$0x1]  }
0x3: {  	s1 =	rddreg [dreg:$0x2]  }
0x4: {  	s4 =	simm.s32 $0x0;
	s3 =	srdreg.scid;
	s22 =	stileid.u32  }
0x5: {  	s18 =	simm.s32 $0x200;
	s19 =	simm.s32 $0x400;
	s20 =	simm.s32 $0x1000  }
0x6: {  	s28 =	simm.s32 $0x2;
	s29 =	simm.s32 $0x6;
	s30 =	simm.s32 $0x15000  }
0x7: {  	s31 =	simm.s32 $0x3;
	s21 =	simm.s32 $0x0;
	[smem:$0x7FF] =	sst s4  }
0x8: {  	s3 =	sand.u32 $0x1, s3;
	s4 =	sshll.u32 s22, $0x11;
	s2 =	sadd.s32 $0x1200, s2  }
0x9: {  	s11 =	sadd.s32 $0x40, s1;
	s13 =	sadd.s32 $0x1000, s1;
	s15 =	sadd.s32 $0x1040, s1  }
0xa: {  	s5 =	ssub.s32 $0x2, s3;
	s3 =	sshll.u32 s3, $0x10;
	_ =	strace $0x80000047  }
0xb: {  	[dreg:$0x4] =	wrdreg s2;
	s6 =	sshrl.u32 s5, $0x1;
	s4 =	sor.u32 s3, s4  }
0xc: {  	s2 =	simm.s32 $0x4;
	s23 =	ssub.s32 s5, s6;
	s6 =	sadd.s32 s0, s4  }
0xd: {  	s0 =	sadd.s32 $0x40, s6;
	s24 =	sadd.s32 $0x1000, s6;
	s25 =	sadd.s32 $0x1040, s6  }
.Ltmp0:
0xe: {  	s10 =	sadd.s32 $0x2000, s6;
	[dreg:$0x5] =	wrdreg s0;
	(pc) =	sbr.rel .LBB2_1-.Ltmp0, $4  }
0xf: {  	s12 =	sadd.s32 $0x2040, s6;
	s14 =	sadd.s32 $0x3000, s6;
	[dreg:$0x6] =	wrdreg s24  }
0x10: {  	s16 =	sadd.s32 $0x3040, s6;
	s26 =	smax.u32 s23, $0x1;
	[dreg:$0x7] =	wrdreg s25  }
0x11: {  	s23 =	simm.s32 $0xD000;
	[dreg:$0x8] =	wrdreg s26;
	s24 =	simm.s32 $0x7  }
0x12: {  	s25 =	simm.s32 $0x1;
	s26 =	simm.s32 $0x11000;
	s0 =	simm.s32 $0x5  }
.LBB2_16:
0x13: {  	_ =	swait.ge [sflag:s0], $0x4000  }
0x14: {  	[sflag:s0] =	ssyncset.done $0x0  }
0x15: {  	[sflag:s0] =	ssyncadd.s32 $0xFFFFC000  }
0x16: {  	_ =	swait.ge [sflag:s29], $0x4000  }
0x17: {  	s21 =	sadd.s32 $0x1, s21;
	s3 =	rddreg [dreg:$0x8]  }
0x18: {  	p0 =	sne.s32 s21, s3  }
.Ltmp1:
0x19: {  	_ = 	snop;
	(pc) =	sbr.rel @!p0 .LBB2_17-.Ltmp1, $3  }
0x1a: {  	_ =	sdelay $0x1  }
0x1b: {  	[sflag:s29] =	ssyncset.done $0x0  }
0x1c: {  	[sflag:s29] =	ssyncadd.s32 $0xFFFFC000  }
.LBB2_1:
0x1d: {  	[tilespmem:s20], [sflag:$0x1] =	stream.strided.gather [hbm4b:s6+s18], $0x4000, s19, s18, $0x38;
	[tilespmem:$0x19000] =	vst v63  }
0x1e: {  	s3 =	rddreg [dreg:$0x5];
	s5 =	simm.s32 $0x5000  }
0x1f: {  	[tilespmem:s5], [sflag:$0x2] =	stream.strided.gather [hbm4b:s3+s18], $0x4000, s19, s18, $0x38;
	[tilespmem:$0x19000] =	vst v63  }
0x20: {  	s7 =	rddreg [dreg:$0x6];
	s8 =	simm.s32 $0x9000  }
0x21: {  	[tilespmem:s8], [sflag:$0x3] =	stream.strided.gather [hbm4b:s7+s18], $0x4000, s19, s18, $0x38;
	[tilespmem:$0x19000] =	vst v63  }
0x22: {  	s9 =	rddreg [dreg:$0x7]  }
0x23: {  	[tilespmem:s23], [sflag:$0x4] =	stream.strided.gather [hbm4b:s9+s18], $0x4000, s19, s18, $0x38;
	[tilespmem:$0x19000] =	vst v63  }
0x24: {  	s17 =	simm.s32 $0x0;
	s22 =	rddreg [dreg:$0x4]  }
0x25: {  	[tilespmem:s17], [sflag:$0x7] =	stream.linear.gather [hbm4b:s22+s17], $0x1000, $0x38;
	[tilespmem:$0x19000] =	vst v63  }
0x26: {  	_ =	swait.ge [sflag:s24], $0x1000  }
0x27: {  	[sflag:s24] =	ssyncset.done $0x0  }
0x28: {  	s22 =	simm.s32 $0x0;
	[sflag:s24] =	ssyncadd.s32 $0xFFFFF000  }
.LBB2_2:
0x29: {  	_ =	swait.ge [sflag:s25], $0x4000  }
0x2a: {  	p0 =	seq.s32 s22, $0x0;
	[sflag:s25] =	ssyncset.done $0x0  }
0x2b: {  	s3 =	simm.s32 @!p0 $0x5;
	[sflag:s25] =	ssyncadd.s32 $0xFFFFC000  }
0x2c: {  	_ =	swait.ge @!p0 [sflag:s3], $0x4000  }
0x2d: {  	[sflag:s3] =	ssyncset.done @!p0 $0x0  }
0x2e: {  	s17 =	simm.s32 $0x40;
	[sflag:s3] =	ssyncadd.s32 @!p0 $0xFFFFC000  }
0x2f: {  	v0 =	vld [tilespmem:s17+$0xFFFFFFC0]  }
0x30: {  	v1 =	vld [tilespmem:s17+$0x10]  }
0x31: {  	v3 =	vld [tilespmem:s17+$0xFFFFFFE0]  }
0x32: {  	v2 =	vld [tilespmem:s17+$0x0];
	_ =	sdelay $0x1  }
0x33: {  	v6 =	vld [tilespmem:s17+$0x20]  }
0x34: {  	v7 =	vld [tilespmem:s17+$0xFFFFFFF0];
	v4 =	vshll.u32 v0, $0x2;
	v0 =	vand.u32 $0x7F, v0;
	v5 =	vshll.u32 v1, $0x2  }
0x35: {  	v1 =	vand.u32 $0x7F, v1;
	v9 =	vshll.u32 v3, $0x2;
	v4 =	vand.u32 $0xFFFFFE00, v4  }
0x36: {  	v8 =	vld [tilespmem:s17+$0xFFFFFFD0];
	v3 =	vand.u32 $0x7F, v3;
	v4 =	vor.u32 v0, v4;
	v0 =	vshll.u32 v2, $0x2  }
0x37: {  	v5 =	vand.u32 $0xFFFFFE00, v5;
	v2 =	vand.u32 $0x7F, v2;
	v0 =	vand.u32 $0xFFFFFE00, v0  }
0x38: {  	v5 =	vor.u32 v1, v5;
	v0 =	vor.u32 v2, v0;
	v2 =	vand.u32 $0xFFFFFE00, v9;
	v9 =	vld [tilespmem:s17+$0x30]  }
0x39: {  	v11 =	vand.u32 $0x7F, v7;
	v2 =	vor.u32 v3, v2;
	v3 =	vshll.u32 v6, $0x2  }
0x3a: {  	v1 =	vand.u32 $0x7F, v6;
	v13 =	vor.u32 $0x80, v4;
	v3 =	vand.u32 $0xFFFFFE00, v3  }
0x3b: {  	v6 =	vshll.u32 v7, $0x2;
	v10 =	vld.idx.msk [tilespmem:v4+s20+$0x0], $0xffff;
	v1 =	vor.u32 v1, v3;
	v3 =	vshll.u32 v8, $0x2  }
0x3c: {  	v6 =	vand.u32 $0xFFFFFE00, v6;
	v8 =	vand.u32 $0x7F, v8;
	v3 =	vand.u32 $0xFFFFFE00, v3  }
0x3d: {  	v6 =	vor.u32 v11, v6;
	v17 =	vld.idx.msk [tilespmem:v5+s20+$0x0], $0xffff;
	v7 =	vor.u32 v8, v3;
	v3 =	vshll.u32 v9, $0x2  }
0x3e: {  	v12 =	vld.idx.msk [tilespmem:v0+s20+$0x0], $0xffff;
	v8 =	vand.u32 $0x7F, v9;
	v3 =	vand.u32 $0xFFFFFE00, v3  }
0x3f: {  	s7 =	simm.s32 $0x11100;
	v11 =	vld.idx.msk [tilespmem:v2+s20+$0x0], $0xffff;
	v3 =	vor.u32 v8, v3  }
0x40: {  	v20 =	vor.u32 $0x80, v0;
	[tilespmem:s7+$0xFFFFFF00] =	vst v10;
	v9 =	vld.idx.msk [tilespmem:v1+s20+$0x0], $0xffff  }
0x41: {  	v18 =	vld.idx.msk [tilespmem:v13+s20+$0x0], $0xffff;
	v13 =	vor.u32 $0x80, v5  }
0x42: {  	s8 =	simm.s32 $0x0;
	s3 =	sshll.u32 s22, $0xD;
	v15 =	vor.u32 $0x80, v2;
	v16 =	vld.idx.msk [tilespmem:v6+s20+$0x0], $0xffff  }
0x43: {  	s9 =	simm.s32 $0xC0;
	s5 =	sor.u32 s4, s3;
	s17 =	simm.s32 $0x11100;
	v14 =	vor.u32 $0x80, v7;
	v8 =	vor.u32 $0x80, v3;
	v10 =	vor.u32 $0x80, v1;
	v19 =	vld.idx.msk [tilespmem:v7+s20+$0x0], $0xffff  }
.LBB2_3:
0x44: {  	s8 =	sadd.s32 $0x80, s8;
	[tilespmem:s7+$0xFFFFFF40] =	vst v12;
	v12 =	vld.idx.msk [tilespmem:v3+s20+$0x0], $0xffff;
	s17 =	sadd.s32 $0x200, s17  }
0x45: {  	p1 =	slt.u32 s8, $0xF80;
	v20 =	vld.idx.msk [tilespmem:v20+s20+$0x0], $0xffff;
	[tilespmem:s7+$0xFFFFFF50] =	vst v17  }
0x46: {  	v17 =	vor.u32 $0x100, v4;
	v13 =	vld.idx.msk [tilespmem:v13+s20+$0x0], $0xffff  }
0x47: {  	v21 =	vld [tilespmem:s9+$0x10];
	[tilespmem:s7+$0xFFFFFF80] =	vst v18  }
0x48: {  	v18 =	vld [tilespmem:s9+$0xFFFFFFE0];
	[tilespmem:s7+$0xFFFFFF10] =	vst v19;
	v19 =	vor.u32 $0x80, v6  }
0x49: {  	v14 =	vld.idx.msk [tilespmem:v14+s20+$0x0], $0xffff;
	[tilespmem:s7+$0xFFFFFF20] =	vst v11  }
0x4a: {  	v11 =	vld.idx.msk [tilespmem:v15+s20+$0x0], $0xffff;
	[tilespmem:s7+$0xFFFFFF70] =	vst v12  }
0x4b: {  	v12 =	vld.idx.msk [tilespmem:v17+s20+$0x0], $0xffff;
	[tilespmem:s7+$0xFFFFFFC0] =	vst v20  }
0x4c: {  	v15 =	vld [tilespmem:s9+$0xFFFFFFF0];
	[tilespmem:s7+$0xFFFFFF30] =	vst v16  }
0x4d: {  	v16 =	vld.idx.msk [tilespmem:v19+s20+$0x0], $0xffff;
	[tilespmem:s7+$0xFFFFFFD0] =	vst v13  }
0x4e: {  	v13 =	vld [tilespmem:s9+$0xFFFFFFC0];
	[tilespmem:s7+$0xFFFFFF60] =	vst v9  }
0x4f: {  	[tilespmem:s7+$0xFFFFFF90] =	vst v14;
	v8 =	vld.idx.msk [tilespmem:v8+s20+$0x0], $0xffff  }
0x50: {  	v9 =	vld [tilespmem:s9+$0x20];
	[tilespmem:s7+$0xFFFFFFA0] =	vst v11;
	v11 =	vor.u32 $0x100, v5  }
0x51: {  	v14 =	vld [tilespmem:s9+$0x30];
	[tilespmem:s7+$0x0] =	vst v12;
	v12 =	vor.u32 $0x100, v7  }
0x52: {  	v19 =	vor.u32 $0x100, v6;
	v17 =	vld [tilespmem:s9+$0xFFFFFFD0]  }
0x53: {  	v20 =	vor.u32 $0x180, v4;
	[tilespmem:s7+$0xFFFFFFB0] =	vst v16;
	v10 =	vld.idx.msk [tilespmem:v10+s20+$0x0], $0xffff  }
0x54: {  	v22 =	vor.u32 $0x100, v2;
	v23 =	vor.u32 $0x180, v5;
	v5 =	vor.u32 $0x100, v1;
	v16 =	vld [tilespmem:s9+$0x0]  }
0x55: {  	v24 =	vor.u32 $0x100, v0;
	v4 =	vshll.u32 v13, $0x2;
	v11 =	vld.idx.msk [tilespmem:v11+s20+$0x0], $0xffff;
	[tilespmem:s7+$0xFFFFFFF0] =	vst v8;
	v8 =	vor.u32 $0x100, v3  }
0x56: {  	v4 =	vand.u32 $0xFFFFFE00, v4;
	v25 =	vand.u32 $0x7F, v14;
	v14 =	vshll.u32 v14, $0x2;
	v12 =	vld.idx.msk [tilespmem:v12+s20+$0x0], $0xffff  }
0x57: {  	v6 =	vor.u32 $0x180, v6;
	v13 =	vand.u32 $0x7F, v13;
	v14 =	vand.u32 $0xFFFFFE00, v14;
	v19 =	vld.idx.msk [tilespmem:v19+s20+$0x0], $0xffff  }
0x58: {  	v7 =	vor.u32 $0x180, v7;
	v4 =	vor.u32 v13, v4;
	v13 =	vshll.u32 v21, $0x2;
	v20 =	vld.idx.msk [tilespmem:v20+s20+$0x0], $0xffff  }
0x59: {  	v26 =	vshll.u32 v15, $0x2;
	v14 =	vor.u32 v25, v14;
	v27 =	vshll.u32 v16, $0x2;
	v22 =	vld.idx.msk [tilespmem:v22+s20+$0x0], $0xffff;
	[tilespmem:s7+$0xFFFFFFE0] =	vst v10  }
0x5a: {  	v21 =	vand.u32 $0x7F, v21;
	v10 =	vand.u32 $0xFFFFFE00, v26;
	v16 =	vand.u32 $0x7F, v16;
	v25 =	vld.idx.msk [tilespmem:v5+s20+$0x0], $0xffff  }
0x5b: {  	v13 =	vand.u32 $0xFFFFFE00, v13;
	v26 =	vor.u32 $0x180, v2;
	v5 =	vand.u32 $0xFFFFFE00, v27;
	[tilespmem:s7+$0x50] =	vst v11;
	v8 =	vld.idx.msk [tilespmem:v8+s20+$0x0], $0xffff  }
0x5c: {  	v2 =	vshll.u32 v18, $0x2;
	v11 =	vor.u32 v16, v5;
	v5 =	vor.u32 v21, v13;
	[tilespmem:s7+$0x10] =	vst v12;
	v12 =	vld.idx.msk [tilespmem:v24+s20+$0x0], $0xffff  }
0x5d: {  	v2 =	vand.u32 $0xFFFFFE00, v2;
	v13 =	vor.u32 $0x180, v3;
	v3 =	vmov v14;
	v7 =	vld.idx.msk [tilespmem:v7+s20+$0x0], $0xffff;
	[tilespmem:s7+$0x30] =	vst v19  }
0x5e: {  	v14 =	vand.u32 $0x7F, v18;
	v18 =	vor.u32 $0x180, v0;
	v0 =	vmovc v11;
	v19 =	vor.u32 $0x180, v1;
	[tilespmem:s7+$0x80] =	vst v20;
	v16 =	vld.idx.msk [tilespmem:v6+s20+$0x0], $0xffff  }
0x5f: {  	v21 =	vor.u32 $0x80, v4;
	v2 =	vor.u32 v14, v2;
	v1 =	vand.u32 $0x7F, v15;
	[tilespmem:s7+$0x20] =	vst v22;
	v11 =	vld.idx.msk [tilespmem:v23+s20+$0x0], $0xffff  }
0x60: {  	v6 =	vor.u32 v1, v10;
	v1 =	vshll.u32 v9, $0x2;
	v10 =	vld.idx.msk [tilespmem:v26+s20+$0x0], $0xffff;
	[tilespmem:s7+$0x60] =	vst v25  }
0x61: {  	v9 =	vand.u32 $0x7F, v9;
	v1 =	vand.u32 $0xFFFFFE00, v1;
	v15 =	vld.idx.msk [tilespmem:v4+s20+$0x0], $0xffff;
	[tilespmem:s7+$0x70] =	vst v8  }
0x62: {  	v1 =	vor.u32 v9, v1;
	[tilespmem:s7+$0x40] =	vst v12;
	v22 =	vld.idx.msk [tilespmem:v13+s20+$0x0], $0xffff  }
0x63: {  	v8 =	vshll.u32 v17, $0x2;
	v13 =	vor.u32 $0x80, v5;
	v12 =	vld.idx.msk [tilespmem:v0+s20+$0x0], $0xffff;
	[tilespmem:s7+$0x90] =	vst v7  }
0x64: {  	v9 =	vand.u32 $0xFFFFFE00, v8;
	v8 =	vor.u32 $0x80, v3;
	v7 =	vand.u32 $0x7F, v17;
	[tilespmem:s7+$0xB0] =	vst v16;
	v16 =	vld.idx.msk [tilespmem:v18+s20+$0x0], $0xffff  }
0x65: {  	v7 =	vor.u32 v7, v9;
	[tilespmem:s7+$0xD0] =	vst v11;
	v23 =	vld.idx.msk [tilespmem:v19+s20+$0x0], $0xffff  }
0x66: {  	v14 =	vor.u32 $0x80, v7;
	v11 =	vld.idx.msk [tilespmem:v2+s20+$0x0], $0xffff  }
.Ltmp2:
0x67: {  	[tilespmem:s17+$0xFFFFFF00] =	vst v15;
	v15 =	vor.u32 $0x80, v2;
	v17 =	vld.idx.msk [tilespmem:v5+s20+$0x0], $0xffff;
	(pc) =	sbr.rel @p1 .LBB2_3-.Ltmp2, $4  }
0x68: {  	v20 =	vor.u32 $0x80, v0;
	v9 =	vld.idx.msk [tilespmem:v1+s20+$0x0], $0xffff;
	[tilespmem:s7+$0xF0] =	vst v22  }
0x69: {  	v18 =	vld.idx.msk [tilespmem:v21+s20+$0x0], $0xffff;
	[tilespmem:s7+$0xA0] =	vst v10  }
0x6a: {  	v19 =	vld.idx.msk [tilespmem:v7+s20+$0x0], $0xffff;
	[tilespmem:s7+$0xC0] =	vst v16  }
0x6b: {  	s9 =	sadd.s32 $0x80, s9;
	v10 =	vor.u32 $0x80, v1;
	v16 =	vld.idx.msk [tilespmem:v6+s20+$0x0], $0xffff;
	[tilespmem:s7+$0xE0] =	vst v23;
	s7 =	smov.u32 s17  }
0x6c: {  	_ =	sdelay $0x1  }
0x6d: {  	[tilespmem:s7+$0xFFFFFF40] =	vst v12  }
0x6e: {  	[tilespmem:s7+$0xFFFFFF50] =	vst v17  }
0x6f: {  	v34 =	vld.idx.msk [tilespmem:v3+s20+$0x0], $0xffff;
	[tilespmem:s7+$0xFFFFFF20] =	vst v11  }
0x70: {  	v36 =	vor.u32 $0x80, v6;
	v35 =	vld.idx.msk [tilespmem:v20+s20+$0x0], $0xffff;
	[tilespmem:s7+$0xFFFFFF60] =	vst v9  }
0x71: {  	v37 =	vor.u32 $0x100, v4;
	v13 =	vld.idx.msk [tilespmem:v13+s20+$0x0], $0xffff;
	[tilespmem:s7+$0xFFFFFF80] =	vst v18  }
0x72: {  	v39 =	vld.idx.msk [tilespmem:v15+s20+$0x0], $0xffff;
	[tilespmem:s7+$0xFFFFFF10] =	vst v19  }
0x73: {  	v40 =	vor.u32 $0x100, v5;
	v9 =	vld.idx.msk [tilespmem:v10+s20+$0x0], $0xffff;
	[tilespmem:s7+$0xFFFFFF30] =	vst v16  }
0x74: {  	v46 =	vor.u32 $0x100, v2;
	v38 =	vld.idx.msk [tilespmem:v14+s20+$0x0], $0xffff;
	[tilespmem:s7+$0xFFFFFF70] =	vst v34  }
0x75: {  	v51 =	vor.u32 $0x100, v0;
	v41 =	vld.idx.msk [tilespmem:v36+s20+$0x0], $0xffff;
	[tilespmem:s7+$0xFFFFFFC0] =	vst v35  }
0x76: {  	v49 =	vor.u32 $0x100, v1;
	v43 =	vld.idx.msk [tilespmem:v37+s20+$0x0], $0xffff;
	[tilespmem:s7+$0xFFFFFFD0] =	vst v13  }
0x77: {  	v42 =	vor.u32 $0x100, v7;
	v8 =	vld.idx.msk [tilespmem:v8+s20+$0x0], $0xffff;
	[tilespmem:s7+$0xFFFFFFA0] =	vst v39  }
0x78: {  	v44 =	vor.u32 $0x100, v6;
	v47 =	vld.idx.msk [tilespmem:v40+s20+$0x0], $0xffff;
	[tilespmem:s7+$0xFFFFFFE0] =	vst v9  }
0x79: {  	v45 =	vor.u32 $0x180, v4;
	v54 =	vld.idx.msk [tilespmem:v46+s20+$0x0], $0xffff;
	[tilespmem:s7+$0xFFFFFF90] =	vst v38  }
0x7a: {  	v48 =	vor.u32 $0x100, v3;
	v60 =	vld.idx.msk [tilespmem:v51+s20+$0x0], $0xffff;
	[tilespmem:s7+$0xFFFFFFB0] =	vst v41  }
0x7b: {  	v55 =	vor.u32 $0x180, v5;
	v57 =	vld.idx.msk [tilespmem:v49+s20+$0x0], $0xffff;
	[tilespmem:s7+$0x0] =	vst v43  }
0x7c: {  	v59 =	vor.u32 $0x180, v2;
	v50 =	vld.idx.msk [tilespmem:v42+s20+$0x0], $0xffff;
	[tilespmem:s7+$0xFFFFFFF0] =	vst v8  }
0x7d: {  	v61 =	vor.u32 $0x180, v0;
	v13 =	vld.idx.msk [tilespmem:v44+s20+$0x0], $0xffff;
	[tilespmem:s7+$0x50] =	vst v47  }
0x7e: {  	v63 =	vor.u32 $0x180, v1;
	v4 =	vld.idx.msk [tilespmem:v45+s20+$0x0], $0xffff;
	[tilespmem:s7+$0x20] =	vst v54  }
0x7f: {  	v52 =	vor.u32 $0x180, v7;
	v56 =	vld.idx.msk [tilespmem:v48+s20+$0x0], $0xffff;
	[tilespmem:s7+$0x40] =	vst v60  }
0x80: {  	v53 =	vor.u32 $0x180, v6;
	v5 =	vld.idx.msk [tilespmem:v55+s20+$0x0], $0xffff;
	[tilespmem:s7+$0x60] =	vst v57  }
0x81: {  	v58 =	vor.u32 $0x180, v3;
	v2 =	vld.idx.msk [tilespmem:v59+s20+$0x0], $0xffff;
	[tilespmem:s7+$0x10] =	vst v50  }
0x82: {  	v0 =	vld.idx.msk [tilespmem:v61+s20+$0x0], $0xffff;
	[tilespmem:s7+$0x30] =	vst v13  }
0x83: {  	v1 =	vld.idx.msk [tilespmem:v63+s20+$0x0], $0xffff;
	[tilespmem:s7+$0x80] =	vst v4  }
0x84: {  	v7 =	vld.idx.msk [tilespmem:v52+s20+$0x0], $0xffff;
	[tilespmem:s7+$0x70] =	vst v56  }
0x85: {  	v62 =	vld.idx.msk [tilespmem:v53+s20+$0x0], $0xffff;
	[tilespmem:s7+$0xD0] =	vst v5  }
0x86: {  	v3 =	vld.idx.msk [tilespmem:v58+s20+$0x0], $0xffff;
	[tilespmem:s7+$0xA0] =	vst v2  }
0x87: {  	p1 =	sne.s32 s22, $0x7;
	[tilespmem:s7+$0xC0] =	vst v0  }
.Ltmp3:
0x88: {  	[tilespmem:s7+$0xE0] =	vst v1;
	(pc) =	sbr.rel @p1 .LBB2_6-.Ltmp3, $4  }
0x89: {  	[tilespmem:s7+$0x90] =	vst v7  }
0x8a: {  	[tilespmem:s7+$0xB0] =	vst v62  }
0x8b: {  	s17 =	sadd.s32 s1, s5;
	[tilespmem:s7+$0xF0] =	vst v3  }
0x8c: {  	[hbm4b:s17+s18] =	stream.strided.scatter [tilespmem:s26], [sflag:$0x5], $0x4000, s19, s18, $0x38;
	[tilespmem:$0x19000] =	vst v63  }
.Ltmp4:
0x8d: {  	(pc) =	sbr.rel .LBB2_7-.Ltmp4, $4  }
0x8e: {  	_ = 	snop  }
0x8f: {  	_ =	swait.ge [sflag:s28], $0x4000  }
0x90: {  	[sflag:s28] =	ssyncset.done $0x0  }
0x91: {  	[sflag:s28] =	ssyncadd.s32 $0xFFFFC000  }
.LBB2_6:
.Ltmp5:
0x92: {  	s7 =	sadd.s32 s3, s10;
	(pc) =	sbr.rel @p0 .LBB2_8-.Ltmp5, $4  }
0x93: {  	[tilespmem:s20], [sflag:$0x1] =	stream.strided.gather [hbm4b:s7+s18], $0x4000, s19, s18, $0x38;
	[tilespmem:$0x19000] =	vst v63  }
0x94: {  	_ =	swait.ge [sflag:s28], $0x4000  }
0x95: {  	[sflag:s28] =	ssyncset.done $0x0  }
0x96: {  	[sflag:s28] =	ssyncadd.s32 $0xFFFFC000  }
.LBB2_7:
0x97: {  	_ =	swait.ge [sflag:s29], $0x4000  }
0x98: {  	[sflag:s29] =	ssyncset.done $0x0  }
0x99: {  	[sflag:s29] =	ssyncadd.s32 $0xFFFFC000  }
.LBB2_8:
0x9a: {  	s8 =	simm.s32 $0x40  }
0x9b: {  	v0 =	vld [tilespmem:s8+$0x30];
	_ =	sdelay $0x3  }
0x9c: {  	v2 =	vld [tilespmem:s8+$0xFFFFFFC0]  }
0x9d: {  	v1 =	vshll.u32 v0, $0x2  }
0x9e: {  	v0 =	vand.u32 $0x7F, v0;
	v1 =	vand.u32 $0xFFFFFE00, v1  }
0x9f: {  	v1 =	vor.u32 v0, v1  }
0xa0: {  	v0 =	vadd.s32 $0x4000, v1  }
0xa1: {  	v4 =	vshll.u32 v2, $0x2  }
0xa2: {  	v9 =	vld [tilespmem:s8+$0xFFFFFFF0];
	v2 =	vand.u32 $0x7F, v2;
	v4 =	vand.u32 $0xFFFFFE00, v4  }
0xa3: {  	v4 =	vor.u32 v2, v4;
	v2 =	vld [tilespmem:s8+$0x10]  }
0xa4: {  	v5 =	vld [tilespmem:s8+$0xFFFFFFD0]  }
0xa5: {  	v0 =	vld.idx.msk [tilespmem:v0+s20+$0x0], $0xffff  }
0xa6: {  	v3 =	vadd.s32 $0x4080, v1;
	_ =	sdelay $0x1  }
0xa7: {  	v6 =	vld [tilespmem:s8+$0x0];
	v16 =	vand.u32 $0x7F, v9;
	v12 =	vshll.u32 v2, $0x2  }
0xa8: {  	s7 =	simm.s32 $0x15000;
	v7 =	vld [tilespmem:s8+$0x20];
	v9 =	vshll.u32 v9, $0x2;
	v2 =	vand.u32 $0x7F, v2;
	v12 =	vand.u32 $0xFFFFFE00, v12  }
0xa9: {  	v10 =	vld [tilespmem:s8+$0xFFFFFFE0];
	v17 =	vshll.u32 v5, $0x2;
	v12 =	vor.u32 v2, v12;
	[tilespmem:s7+$0x70] =	vst v0;
	v0 =	vadd.s32 $0x4000, v4  }
0xaa: {  	s9 =	simm.s32 $0xC0;
	v5 =	vand.u32 $0x7F, v5;
	v9 =	vand.u32 $0xFFFFFE00, v9;
	v15 =	vadd.s32 $0x4000, v12;
	v3 =	vld.idx.msk [tilespmem:v3+s20+$0x0], $0xffff  }
0xab: {  	v53 =	vld [tilespmem:s9+$0x30];
	v17 =	vand.u32 $0xFFFFFE00, v17;
	v9 =	vor.u32 v16, v9;
	v8 =	vadd.s32 $0x4100, v1  }
0xac: {  	v22 =	vld [tilespmem:s9+$0xFFFFFFC0];
	v17 =	vor.u32 v5, v17;
	v5 =	vadd.s32 $0x4000, v9  }
0xad: {  	v14 =	vadd.s32 $0x4180, v1;
	v1 =	vld [tilespmem:s9+$0x0]  }
0xae: {  	v11 =	vld.idx.msk [tilespmem:v0+s20+$0x0], $0xffff  }
0xaf: {  	v13 =	vadd.s32 $0x4080, v4;
	v15 =	vld.idx.msk [tilespmem:v15+s20+$0x0], $0xffff;
	[tilespmem:s7+$0xF0] =	vst v3;
	v3 =	vshll.u32 v7, $0x2  }
0xb0: {  	v21 =	vadd.s32 $0x4080, v12;
	v7 =	vand.u32 $0x7F, v7;
	v8 =	vld.idx.msk [tilespmem:v8+s20+$0x0], $0xffff;
	v3 =	vand.u32 $0xFFFFFE00, v3  }
0xb1: {  	v5 =	vld.idx.msk [tilespmem:v5+s20+$0x0], $0xffff;
	v7 =	vor.u32 v7, v3  }
0xb2: {  	v2 =	vld [tilespmem:s9+$0x10];
	v18 =	vadd.s32 $0x4000, v7  }
0xb3: {  	v0 =	vld [tilespmem:s9+$0xFFFFFFD0];
	[tilespmem:s7+$0x0] =	vst v11;
	v11 =	vshll.u32 v6, $0x2  }
0xb4: {  	v19 =	vadd.s32 $0x4000, v17;
	[tilespmem:s7+$0x50] =	vst v15;
	v6 =	vand.u32 $0x7F, v6;
	v13 =	vld.idx.msk [tilespmem:v13+s20+$0x0], $0xffff;
	v11 =	vand.u32 $0xFFFFFE00, v11  }
0xb5: {  	v21 =	vld.idx.msk [tilespmem:v21+s20+$0x0], $0xffff;
	[tilespmem:s7+$0x170] =	vst v8;
	v6 =	vor.u32 v6, v11;
	v8 =	vadd.s32 $0x4100, v4  }
0xb6: {  	v11 =	vld.idx.msk [tilespmem:v14+s20+$0x0], $0xffff;
	v14 =	vshll.u32 v10, $0x2;
	v20 =	vadd.s32 $0x4000, v6  }
0xb7: {  	v55 =	vadd.s32 $0x4100, v12;
	v10 =	vand.u32 $0x7F, v10;
	v18 =	vld.idx.msk [tilespmem:v18+s20+$0x0], $0xffff;
	v14 =	vand.u32 $0xFFFFFE00, v14  }
0xb8: {  	v3 =	vld [tilespmem:s9+$0x20];
	v10 =	vor.u32 v10, v14;
	v14 =	vadd.s32 $0x4080, v7  }
0xb9: {  	v23 =	vadd.s32 $0x4000, v10;
	[tilespmem:s7+$0x80] =	vst v13;
	v13 =	vld.idx.msk [tilespmem:v19+s20+$0x0], $0xffff  }
0xba: {  	v54 =	vadd.s32 $0x4080, v9;
	[tilespmem:s7+$0x30] =	vst v5;
	v8 =	vld.idx.msk [tilespmem:v8+s20+$0x0], $0xffff  }
0xbb: {  	v15 =	vadd.s32 $0x4080, v17;
	[tilespmem:s7+$0xD0] =	vst v21;
	v20 =	vld.idx.msk [tilespmem:v20+s20+$0x0], $0xffff  }
0xbc: {  	v4 =	vadd.s32 $0x4180, v4;
	[tilespmem:s7+$0x60] =	vst v18;
	v18 =	vld.idx.msk [tilespmem:v55+s20+$0x0], $0xffff  }
0xbd: {  	[tilespmem:s7+$0x1F0] =	vst v11;
	v11 =	vadd.s32 $0x4080, v6;
	v14 =	vld.idx.msk [tilespmem:v14+s20+$0x0], $0xffff  }
0xbe: {  	v56 =	vadd.s32 $0x4100, v7;
	v23 =	vld.idx.msk [tilespmem:v23+s20+$0x0], $0xffff;
	[tilespmem:s7+$0x10] =	vst v13  }
0xbf: {  	v5 =	vshll.u32 v53, $0x2;
	v24 =	vadd.s32 $0x4080, v10;
	v13 =	vld.idx.msk [tilespmem:v54+s20+$0x0], $0xffff;
	[tilespmem:s7+$0x100] =	vst v8  }
0xc0: {  	v57 =	vadd.s32 $0x4100, v9;
	v5 =	vand.u32 $0xFFFFFE00, v5;
	v8 =	vld.idx.msk [tilespmem:v15+s20+$0x0], $0xffff;
	v15 =	vand.u32 $0x7F, v53;
	[tilespmem:s7+$0x40] =	vst v20  }
0xc1: {  	v4 =	vld.idx.msk [tilespmem:v4+s20+$0x0], $0xffff;
	v5 =	vor.u32 v15, v5;
	v15 =	vadd.s32 $0x4100, v17;
	[tilespmem:s7+$0x150] =	vst v18  }
0xc2: {  	v12 =	vadd.s32 $0x4180, v12;
	v11 =	vld.idx.msk [tilespmem:v11+s20+$0x0], $0xffff;
	[tilespmem:s7+$0xE0] =	vst v14  }
0xc3: {  	v58 =	vadd.s32 $0x4000, v5;
	[tilespmem:s7+$0x20] =	vst v23;
	v19 =	vld.idx.msk [tilespmem:v56+s20+$0x0], $0xffff  }
0xc4: {  	v14 =	vadd.s32 $0x4100, v6;
	[tilespmem:s7+$0xB0] =	vst v13;
	v59 =	vld.idx.msk [tilespmem:v24+s20+$0x0], $0xffff  }
0xc5: {  	v7 =	vadd.s32 $0x4180, v7;
	[tilespmem:s7+$0x90] =	vst v8;
	v8 =	vld.idx.msk [tilespmem:v57+s20+$0x0], $0xffff  }
0xc6: {  	v13 =	vadd.s32 $0x4100, v10;
	[tilespmem:s7+$0x180] =	vst v4;
	v4 =	vld.idx.msk [tilespmem:v15+s20+$0x0], $0xffff  }
0xc7: {  	v9 =	vadd.s32 $0x4180, v9;
	v12 =	vld.idx.msk [tilespmem:v12+s20+$0x0], $0xffff;
	[tilespmem:s7+$0xC0] =	vst v11  }
0xc8: {  	v15 =	vld.idx.msk [tilespmem:v58+s20+$0x0], $0xffff;
	[tilespmem:s7+$0x160] =	vst v19  }
0xc9: {  	v11 =	vadd.s32 $0x4180, v17;
	v14 =	vld.idx.msk [tilespmem:v14+s20+$0x0], $0xffff;
	[tilespmem:s7+$0xA0] =	vst v59  }
0xca: {  	v60 =	vadd.s32 $0x4080, v5;
	v62 =	vld.idx.msk [tilespmem:v7+s20+$0x0], $0xffff;
	[tilespmem:s7+$0x130] =	vst v8  }
0xcb: {  	v61 =	vadd.s32 $0x4180, v6;
	v63 =	vld.idx.msk [tilespmem:v13+s20+$0x0], $0xffff;
	[tilespmem:s7+$0x110] =	vst v4;
	v4 =	vshll.u32 v22, $0x2  }
0xcc: {  	s8 =	simm.s32 $0x15200;
	[tilespmem:s7+$0x1D0] =	vst v12;
	v8 =	vld.idx.msk [tilespmem:v9+s20+$0x0], $0xffff;
	v9 =	vand.u32 $0x7F, v22;
	v4 =	vand.u32 $0xFFFFFE00, v4  }
0xcd: {  	v10 =	vadd.s32 $0x4180, v10;
	v12 =	vld [tilespmem:s9+$0xFFFFFFF0];
	[tilespmem:s8+$0x70] =	vst v15;
	v4 =	vor.u32 v9, v4  }
0xce: {  	v6 =	vld.idx.msk [tilespmem:v11+s20+$0x0], $0xffff;
	[tilespmem:s7+$0x140] =	vst v14;
	v14 =	vadd.s32 $0x4000, v4  }
0xcf: {  	v11 =	vld.idx.msk [tilespmem:v60+s20+$0x0], $0xffff  }
0xd0: {  	v13 =	vadd.s32 $0x4100, v5;
	v7 =	vld.idx.msk [tilespmem:v61+s20+$0x0], $0xffff;
	[tilespmem:s7+$0x1E0] =	vst v62  }
0xd1: {  	s17 =	simm.s32 $0x80;
	v9 =	vld [tilespmem:s9+$0xFFFFFFE0];
	[tilespmem:s7+$0x120] =	vst v63  }
.LBB2_9:
0xd2: {  	s17 =	sadd.s32 $0x80, s17;
	v15 =	vadd.s32 $0x4080, v4;
	v16 =	vshll.u32 v3, $0x2;
	v5 =	vadd.s32 $0x4180, v5;
	v10 =	vld.idx.msk [tilespmem:v10+s20+$0x0], $0xffff  }
0xd3: {  	v17 =	vshll.u32 v2, $0x2;
	v3 =	vand.u32 $0x7F, v3;
	s9 =	sadd.s32 $0x80, s9;
	p0 =	slt.u32 s17, $0xF80;
	v14 =	vld.idx.msk [tilespmem:v14+s20+$0x0], $0xffff;
	v16 =	vand.u32 $0xFFFFFE00, v16;
	[tilespmem:s7+$0x1B0] =	vst v8  }
0xd4: {  	v18 =	vand.u32 $0x7F, v1;
	v2 =	vand.u32 $0x7F, v2;
	v17 =	vand.u32 $0xFFFFFE00, v17;
	v8 =	vld [tilespmem:s9+$0xFFFFFFD0];
	[tilespmem:s8+$0xF0] =	vst v11  }
0xd5: {  	v17 =	vor.u32 v2, v17;
	v11 =	vand.u32 $0x7F, v12;
	v12 =	vshll.u32 v12, $0x2;
	v13 =	vld.idx.msk [tilespmem:v13+s20+$0x0], $0xffff;
	[tilespmem:s7+$0x1C0] =	vst v7  }
0xd6: {  	v20 =	vadd.s32 $0x4000, v17;
	v7 =	vld [tilespmem:s9+$0x0];
	v19 =	vand.u32 $0x7F, v9;
	v12 =	vand.u32 $0xFFFFFE00, v12;
	[tilespmem:s7+$0x190] =	vst v6  }
0xd7: {  	v16 =	vor.u32 v3, v16;
	v6 =	vshll.u32 v0, $0x2;
	v9 =	vshll.u32 v9, $0x2;
	v2 =	vld [tilespmem:s9+$0x10]  }
0xd8: {  	v6 =	vand.u32 $0xFFFFFE00, v6;
	v11 =	vor.u32 v11, v12;
	v12 =	vadd.s32 $0x4000, v16;
	v3 =	vld [tilespmem:s9+$0x20];
	[tilespmem:s7+$0x1A0] =	vst v10;
	s7 =	smov.u32 s8  }
0xd9: {  	v1 =	vshll.u32 v1, $0x2;
	v9 =	vand.u32 $0xFFFFFE00, v9;
	v10 =	vld [tilespmem:s9+$0x30];
	[tilespmem:s8+$0x0] =	vst v14;
	v14 =	vand.u32 $0x7F, v0;
	v0 =	vmovc v8  }
0xda: {  	v23 =	vand.u32 $0xFFFFFE00, v1;
	v8 =	vld.idx.msk [tilespmem:v15+s20+$0x0], $0xffff;
	v6 =	vor.u32 v14, v6;
	v14 =	vadd.s32 $0x4000, v11  }
0xdb: {  	v18 =	vor.u32 v18, v23;
	v9 =	vor.u32 v19, v9;
	v15 =	vadd.s32 $0x4000, v6;
	v19 =	vld.idx.msk [tilespmem:v20+s20+$0x0], $0xffff;
	[tilespmem:s8+$0x170] =	vst v13  }
0xdc: {  	v21 =	vadd.s32 $0x4000, v18;
	v13 =	vadd.s32 $0x4100, v4;
	v20 =	vadd.s32 $0x4000, v9;
	v1 =	vmovc v7;
	v22 =	vld.idx.msk [tilespmem:v5+s20+$0x0], $0xffff  }
0xdd: {  	v7 =	vadd.s32 $0x4080, v17;
	v12 =	vld.idx.msk [tilespmem:v12+s20+$0x0], $0xffff  }
0xde: {  	v23 =	vld [tilespmem:s9+$0xFFFFFFC0];
	v5 =	vshll.u32 v10, $0x2  }
0xdf: {  	v24 =	vadd.s32 $0x4080, v16;
	v10 =	vand.u32 $0x7F, v10;
	v5 =	vand.u32 $0xFFFFFE00, v5;
	v14 =	vld.idx.msk [tilespmem:v14+s20+$0x0], $0xffff  }
0xe0: {  	v5 =	vor.u32 v10, v5;
	[tilespmem:s8+$0x80] =	vst v8;
	v8 =	vld.idx.msk [tilespmem:v15+s20+$0x0], $0xffff  }
0xe1: {  	v10 =	vld.idx.msk [tilespmem:v13+s20+$0x0], $0xffff;
	v13 =	vadd.s32 $0x4080, v11;
	[tilespmem:s8+$0x50] =	vst v19  }
0xe2: {  	v15 =	vadd.s32 $0x4180, v4;
	v19 =	vadd.s32 $0x4080, v6;
	v21 =	vld.idx.msk [tilespmem:v21+s20+$0x0], $0xffff;
	[tilespmem:s8+$0x1F0] =	vst v22  }
0xe3: {  	v25 =	vadd.s32 $0x4080, v18;
	v22 =	vadd.s32 $0x4080, v9;
	v4 =	vshll.u32 v23, $0x2;
	v7 =	vld.idx.msk [tilespmem:v7+s20+$0x0], $0xffff;
	[tilespmem:s8+$0x60] =	vst v12  }
0xe4: {  	v12 =	vand.u32 $0x7F, v23;
	v23 =	vadd.s32 $0x4100, v17;
	v4 =	vand.u32 $0xFFFFFE00, v4;
	v24 =	vld.idx.msk [tilespmem:v24+s20+$0x0], $0xffff  }
0xe5: {  	v4 =	vor.u32 v12, v4;
	v12 =	vld.idx.msk [tilespmem:v20+s20+$0x0], $0xffff;
	[tilespmem:s8+$0x30] =	vst v14  }
0xe6: {  	[tilespmem:s8+$0x10] =	vst v8;
	v8 =	vld.idx.msk [tilespmem:v13+s20+$0x0], $0xffff;
	v13 =	vadd.s32 $0x4100, v16  }
0xe7: {  	[tilespmem:s8+$0x100] =	vst v10;
	v10 =	vld.idx.msk [tilespmem:v19+s20+$0x0], $0xffff  }
0xe8: {  	v14 =	vld.idx.msk [tilespmem:v15+s20+$0x0], $0xffff;
	v15 =	vadd.s32 $0x4100, v11;
	[tilespmem:s8+$0x40] =	vst v21  }
0xe9: {  	v19 =	vadd.s32 $0x4100, v6;
	v20 =	vld.idx.msk [tilespmem:v25+s20+$0x0], $0xffff;
	[tilespmem:s8+$0xD0] =	vst v7  }
0xea: {  	v21 =	vadd.s32 $0x4100, v9;
	v7 =	vadd.s32 $0x4000, v5;
	v25 =	vadd.s32 $0x4100, v18;
	v23 =	vld.idx.msk [tilespmem:v23+s20+$0x0], $0xffff;
	[tilespmem:s8+$0xE0] =	vst v24  }
0xeb: {  	[tilespmem:s8+$0x20] =	vst v12;
	v12 =	vld.idx.msk [tilespmem:v13+s20+$0x0], $0xffff  }
0xec: {  	v13 =	vld.idx.msk [tilespmem:v22+s20+$0x0], $0xffff;
	[tilespmem:s8+$0xB0] =	vst v8;
	v8 =	vadd.s32 $0x4180, v17  }
0xed: {  	[tilespmem:s8+$0x90] =	vst v10;
	v15 =	vld.idx.msk [tilespmem:v15+s20+$0x0], $0xffff;
	v10 =	vadd.s32 $0x4180, v16  }
0xee: {  	[tilespmem:s8+$0x180] =	vst v14;
	v14 =	vld.idx.msk [tilespmem:v19+s20+$0x0], $0xffff  }
0xef: {  	v11 =	vadd.s32 $0x4180, v11;
	v7 =	vld.idx.msk [tilespmem:v7+s20+$0x0], $0xffff;
	[tilespmem:s8+$0xC0] =	vst v20  }
0xf0: {  	v6 =	vadd.s32 $0x4180, v6;
	v16 =	vld.idx.msk [tilespmem:v25+s20+$0x0], $0xffff;
	[tilespmem:s8+$0x150] =	vst v23  }
0xf1: {  	v17 =	vadd.s32 $0x4080, v5;
	v19 =	vld.idx.msk [tilespmem:v8+s20+$0x0], $0xffff;
	[tilespmem:s8+$0x160] =	vst v12  }
0xf2: {  	v12 =	vadd.s32 $0x4180, v18;
	[tilespmem:s8+$0xA0] =	vst v13;
	v18 =	vld.idx.msk [tilespmem:v10+s20+$0x0], $0xffff  }
0xf3: {  	v10 =	vadd.s32 $0x4180, v9;
	v20 =	vld.idx.msk [tilespmem:v21+s20+$0x0], $0xffff;
	[tilespmem:s8+$0x130] =	vst v15  }
0xf4: {  	s8 =	sadd.s32 $0x200, s8;
	[tilespmem:s7+$0x110] =	vst v14;
	v8 =	vld.idx.msk [tilespmem:v11+s20+$0x0], $0xffff  }
.Ltmp6:
0xf5: {  	[tilespmem:s8+$0x70] =	vst v7;
	v6 =	vld.idx.msk [tilespmem:v6+s20+$0x0], $0xffff;
	(pc) =	sbr.rel @p0 .LBB2_9-.Ltmp6, $4  }
0xf6: {  	v14 =	vadd.s32 $0x4000, v4;
	v11 =	vld.idx.msk [tilespmem:v17+s20+$0x0], $0xffff;
	[tilespmem:s7+$0x140] =	vst v16  }
0xf7: {  	v7 =	vld.idx.msk [tilespmem:v12+s20+$0x0], $0xffff;
	[tilespmem:s7+$0x1D0] =	vst v19  }
0xf8: {  	v13 =	vadd.s32 $0x4100, v5;
	v12 =	vld [tilespmem:s9+$0xFFFFFFF0];
	[tilespmem:s7+$0x1E0] =	vst v18  }
0xf9: {  	v9 =	vld [tilespmem:s9+$0xFFFFFFE0];
	[tilespmem:s7+$0x120] =	vst v20  }
0xfa: {  	_ =	sdelay $0x1  }
0xfb: {  	v15 =	vadd.s32 $0x4080, v4  }
0xfc: {  	v16 =	vshll.u32 v3, $0x2;
	v5 =	vadd.s32 $0x4180, v5;
	v17 =	vshll.u32 v2, $0x2  }
0xfd: {  	v14 =	vld.idx.msk [tilespmem:v14+s20+$0x0], $0xffff;
	v3 =	vand.u32 $0x7F, v3;
	v2 =	vand.u32 $0x7F, v2;
	v17 =	vand.u32 $0xFFFFFE00, v17  }
0xfe: {  	v18 =	vshll.u32 v0, $0x2;
	v16 =	vand.u32 $0xFFFFFE00, v16;
	[tilespmem:s8+$0xF0] =	vst v11;
	v2 =	vor.u32 v2, v17  }
0xff: {  	v13 =	vld.idx.msk [tilespmem:v13+s20+$0x0], $0xffff;
	v11 =	vand.u32 $0x7F, v12;
	v12 =	vshll.u32 v12, $0x2;
	v17 =	vadd.s32 $0x4000, v2  }
0x100: {  	v0 =	vand.u32 $0x7F, v0;
	v3 =	vor.u32 v3, v16;
	v12 =	vand.u32 $0xFFFFFE00, v12  }
0x101: {  	v44 =	vand.u32 $0xFFFFFE00, v18;
	v11 =	vor.u32 v11, v12;
	v12 =	vadd.s32 $0x4000, v3  }
0x102: {  	v10 =	vld.idx.msk [tilespmem:v10+s20+$0x0], $0xffff;
	v0 =	vor.u32 v0, v44;
	[tilespmem:s8+$0x0] =	vst v14;
	v14 =	vshll.u32 v1, $0x2;
	v45 =	vadd.s32 $0x4000, v11  }
0x103: {  	[tilespmem:s7+$0x1B0] =	vst v8;
	v1 =	vand.u32 $0x7F, v1;
	v8 =	vld.idx.msk [tilespmem:v15+s20+$0x0], $0xffff;
	v14 =	vand.u32 $0xFFFFFE00, v14;
	v15 =	vadd.s32 $0x4000, v0  }
0x104: {  	v46 =	vshll.u32 v9, $0x2;
	v1 =	vor.u32 v1, v14;
	[tilespmem:s8+$0x170] =	vst v13;
	v13 =	vadd.s32 $0x4100, v4;
	v14 =	vld.idx.msk [tilespmem:v17+s20+$0x0], $0xffff  }
0x105: {  	[tilespmem:s7+$0x1C0] =	vst v7;
	v7 =	vand.u32 $0x7F, v9;
	v9 =	vand.u32 $0xFFFFFE00, v46;
	v47 =	vadd.s32 $0x4000, v1;
	v5 =	vld.idx.msk [tilespmem:v5+s20+$0x0], $0xffff  }
0x106: {  	[tilespmem:s7+$0x190] =	vst v6;
	v6 =	vor.u32 v7, v9;
	v7 =	vadd.s32 $0x4080, v2;
	v9 =	vld.idx.msk [tilespmem:v12+s20+$0x0], $0xffff  }
0x107: {  	[tilespmem:s7+$0x1A0] =	vst v10;
	v10 =	vadd.s32 $0x4000, v6;
	v12 =	vld.idx.msk [tilespmem:v45+s20+$0x0], $0xffff  }
0x108: {  	v48 =	vadd.s32 $0x4080, v3;
	[tilespmem:s8+$0x80] =	vst v8;
	v8 =	vld.idx.msk [tilespmem:v15+s20+$0x0], $0xffff  }
0x109: {  	v15 =	vadd.s32 $0x4080, v11;
	v13 =	vld.idx.msk [tilespmem:v13+s20+$0x0], $0xffff;
	[tilespmem:s8+$0x50] =	vst v14  }
0x10a: {  	v14 =	vadd.s32 $0x4080, v0;
	v17 =	vld.idx.msk [tilespmem:v47+s20+$0x0], $0xffff;
	[tilespmem:s8+$0x1F0] =	vst v5  }
0x10b: {  	v5 =	vadd.s32 $0x4080, v1;
	v7 =	vld.idx.msk [tilespmem:v7+s20+$0x0], $0xffff;
	[tilespmem:s8+$0x60] =	vst v9  }
0x10c: {  	v4 =	vadd.s32 $0x4180, v4;
	v9 =	vld.idx.msk [tilespmem:v10+s20+$0x0], $0xffff;
	[tilespmem:s8+$0x30] =	vst v12  }
0x10d: {  	v10 =	vadd.s32 $0x4080, v6;
	v12 =	vld.idx.msk [tilespmem:v48+s20+$0x0], $0xffff;
	[tilespmem:s8+$0x10] =	vst v8  }
0x10e: {  	v8 =	vadd.s32 $0x4100, v2;
	v15 =	vld.idx.msk [tilespmem:v15+s20+$0x0], $0xffff;
	[tilespmem:s8+$0x100] =	vst v13  }
0x10f: {  	v13 =	vadd.s32 $0x4100, v3;
	v14 =	vld.idx.msk [tilespmem:v14+s20+$0x0], $0xffff;
	[tilespmem:s8+$0x40] =	vst v17  }
0x110: {  	v49 =	vadd.s32 $0x4100, v11;
	v5 =	vld.idx.msk [tilespmem:v5+s20+$0x0], $0xffff;
	[tilespmem:s8+$0xD0] =	vst v7  }
0x111: {  	v4 =	vld.idx.msk [tilespmem:v4+s20+$0x0], $0xffff;
	v7 =	vadd.s32 $0x4100, v1;
	[tilespmem:s8+$0x20] =	vst v9  }
0x112: {  	v9 =	vadd.s32 $0x4100, v0;
	[tilespmem:s8+$0xE0] =	vst v12;
	v10 =	vld.idx.msk [tilespmem:v10+s20+$0x0], $0xffff  }
0x113: {  	v12 =	vadd.s32 $0x4100, v6;
	v8 =	vld.idx.msk [tilespmem:v8+s20+$0x0], $0xffff;
	[tilespmem:s8+$0xB0] =	vst v15  }
0x114: {  	v2 =	vadd.s32 $0x4180, v2;
	v13 =	vld.idx.msk [tilespmem:v13+s20+$0x0], $0xffff;
	[tilespmem:s8+$0x90] =	vst v14  }
0x115: {  	v3 =	vadd.s32 $0x4180, v3;
	v14 =	vld.idx.msk [tilespmem:v49+s20+$0x0], $0xffff;
	[tilespmem:s8+$0xC0] =	vst v5  }
0x116: {  	[tilespmem:s8+$0x180] =	vst v4;
	v4 =	vadd.s32 $0x4180, v11;
	v5 =	vld.idx.msk [tilespmem:v7+s20+$0x0], $0xffff  }
0x117: {  	v1 =	vadd.s32 $0x4180, v1;
	v7 =	vld.idx.msk [tilespmem:v9+s20+$0x0], $0xffff;
	[tilespmem:s8+$0xA0] =	vst v10  }
0x118: {  	v0 =	vadd.s32 $0x4180, v0;
	[tilespmem:s8+$0x150] =	vst v8;
	v8 =	vld.idx.msk [tilespmem:v12+s20+$0x0], $0xffff  }
0x119: {  	v6 =	vadd.s32 $0x4180, v6;
	v2 =	vld.idx.msk [tilespmem:v2+s20+$0x0], $0xffff;
	[tilespmem:s8+$0x160] =	vst v13  }
0x11a: {  	v3 =	vld.idx.msk [tilespmem:v3+s20+$0x0], $0xffff;
	[tilespmem:s8+$0x130] =	vst v14  }
0x11b: {  	v4 =	vld.idx.msk [tilespmem:v4+s20+$0x0], $0xffff;
	[tilespmem:s8+$0x140] =	vst v5  }
0x11c: {  	[tilespmem:s8+$0x110] =	vst v7;
	v1 =	vld.idx.msk [tilespmem:v1+s20+$0x0], $0xffff  }
0x11d: {  	v0 =	vld.idx.msk [tilespmem:v0+s20+$0x0], $0xffff;
	[tilespmem:s8+$0x120] =	vst v8  }
0x11e: {  	[tilespmem:s8+$0x1D0] =	vst v2;
	v2 =	vld.idx.msk [tilespmem:v6+s20+$0x0], $0xffff  }
0x11f: {  	[tilespmem:s8+$0x1E0] =	vst v3  }
0x120: {  	[tilespmem:s8+$0x1B0] =	vst v4  }
0x121: {  	[tilespmem:s8+$0x1C0] =	vst v1  }
0x122: {  	p0 =	seq.s32 s22, $0x7;
	[tilespmem:s8+$0x190] =	vst v0  }
0x123: {  	s9 =	sadd.s32 s5, s11;
	s17 =	simm.s32 @!p0 $0x5000;
	[tilespmem:s8+$0x1A0] =	vst v2  }
0x124: {  	[hbm4b:s9+s18] =	stream.strided.scatter [tilespmem:s30], [sflag:$0x6], $0x4000, s19, s18, $0x38;
	[tilespmem:$0x19000] =	vst v63  }
0x125: {  	s7 =	sadd.s32 @!p0 s3, s12;
	s8 =	simm.s32 @!p0 $0x200;
	s9 =	simm.s32 @!p0 $0x400  }
0x126: {  	[tilespmem:s17], [sflag:$0x2] =	stream.strided.gather @!p0 [hbm4b:s7+s8], $0x4000, s9, s8, $0x38;
	[tilespmem:$0x19000] =	vst v63  }
0x127: {  	_ =	swait.ge [sflag:s31], $0x4000  }
0x128: {  	[sflag:s31] =	ssyncset.done $0x0  }
0x129: {  	[sflag:s31] =	ssyncadd.s32 $0xFFFFC000  }
0x12a: {  	_ =	swait.ge [sflag:s0], $0x4000  }
0x12b: {  	[sflag:s0] =	ssyncset.done $0x0  }
0x12c: {  	s17 =	simm.s32 $0x40;
	[sflag:s0] =	ssyncadd.s32 $0xFFFFC000  }
0x12d: {  	v0 =	vld [tilespmem:s17+$0x30];
	_ =	sdelay $0x3  }
0x12e: {  	v2 =	vld [tilespmem:s17+$0xFFFFFFC0]  }
0x12f: {  	v1 =	vshll.u32 v0, $0x2  }
0x130: {  	v0 =	vand.u32 $0x7F, v0;
	v1 =	vand.u32 $0xFFFFFE00, v1  }
0x131: {  	v1 =	vor.u32 v0, v1  }
0x132: {  	v0 =	vadd.s32 $0x8000, v1  }
0x133: {  	v4 =	vshll.u32 v2, $0x2  }
0x134: {  	v9 =	vld [tilespmem:s17+$0xFFFFFFF0];
	v2 =	vand.u32 $0x7F, v2;
	v4 =	vand.u32 $0xFFFFFE00, v4  }
0x135: {  	v4 =	vor.u32 v2, v4;
	v2 =	vld [tilespmem:s17+$0x10]  }
0x136: {  	v5 =	vld [tilespmem:s17+$0xFFFFFFD0]  }
0x137: {  	v0 =	vld.idx.msk [tilespmem:v0+s20+$0x0], $0xffff  }
0x138: {  	v3 =	vadd.s32 $0x8080, v1;
	_ =	sdelay $0x1  }
0x139: {  	v6 =	vld [tilespmem:s17+$0x0];
	v50 =	vand.u32 $0x7F, v9;
	v12 =	vshll.u32 v2, $0x2  }
0x13a: {  	s7 =	simm.s32 $0x11100;
	v7 =	vld [tilespmem:s17+$0x20];
	v9 =	vshll.u32 v9, $0x2;
	v2 =	vand.u32 $0x7F, v2;
	v12 =	vand.u32 $0xFFFFFE00, v12  }
0x13b: {  	v10 =	vld [tilespmem:s17+$0xFFFFFFE0];
	v51 =	vshll.u32 v5, $0x2;
	v12 =	vor.u32 v2, v12;
	[tilespmem:s7+$0xFFFFFF70] =	vst v0;
	v0 =	vadd.s32 $0x8000, v4  }
0x13c: {  	s9 =	simm.s32 $0xC0;
	v5 =	vand.u32 $0x7F, v5;
	v9 =	vand.u32 $0xFFFFFE00, v9;
	v15 =	vadd.s32 $0x8000, v12;
	v3 =	vld.idx.msk [tilespmem:v3+s20+$0x0], $0xffff  }
0x13d: {  	v53 =	vld [tilespmem:s9+$0x30];
	v17 =	vand.u32 $0xFFFFFE00, v51;
	v9 =	vor.u32 v50, v9;
	v8 =	vadd.s32 $0x8100, v1  }
0x13e: {  	v22 =	vld [tilespmem:s9+$0xFFFFFFC0];
	v17 =	vor.u32 v5, v17;
	v5 =	vadd.s32 $0x8000, v9  }
0x13f: {  	v14 =	vadd.s32 $0x8180, v1;
	v1 =	vld [tilespmem:s9+$0x0]  }
0x140: {  	v11 =	vld.idx.msk [tilespmem:v0+s20+$0x0], $0xffff  }
0x141: {  	v13 =	vadd.s32 $0x8080, v4;
	v15 =	vld.idx.msk [tilespmem:v15+s20+$0x0], $0xffff;
	[tilespmem:s7+$0xFFFFFFF0] =	vst v3;
	v3 =	vshll.u32 v7, $0x2  }
0x142: {  	v21 =	vadd.s32 $0x8080, v12;
	v7 =	vand.u32 $0x7F, v7;
	v8 =	vld.idx.msk [tilespmem:v8+s20+$0x0], $0xffff;
	v3 =	vand.u32 $0xFFFFFE00, v3  }
0x143: {  	v5 =	vld.idx.msk [tilespmem:v5+s20+$0x0], $0xffff;
	v7 =	vor.u32 v7, v3  }
0x144: {  	v2 =	vld [tilespmem:s9+$0x10];
	v52 =	vadd.s32 $0x8000, v7  }
0x145: {  	v0 =	vld [tilespmem:s9+$0xFFFFFFD0];
	[tilespmem:s7+$0xFFFFFF00] =	vst v11;
	v11 =	vshll.u32 v6, $0x2  }
0x146: {  	v19 =	vadd.s32 $0x8000, v17;
	[tilespmem:s7+$0xFFFFFF50] =	vst v15;
	v6 =	vand.u32 $0x7F, v6;
	v13 =	vld.idx.msk [tilespmem:v13+s20+$0x0], $0xffff;
	v11 =	vand.u32 $0xFFFFFE00, v11  }
0x147: {  	v21 =	vld.idx.msk [tilespmem:v21+s20+$0x0], $0xffff;
	[tilespmem:s7+$0x70] =	vst v8;
	v6 =	vor.u32 v6, v11;
	v8 =	vadd.s32 $0x8100, v4  }
0x148: {  	v11 =	vld.idx.msk [tilespmem:v14+s20+$0x0], $0xffff;
	v14 =	vshll.u32 v10, $0x2;
	v20 =	vadd.s32 $0x8000, v6  }
0x149: {  	v55 =	vadd.s32 $0x8100, v12;
	v10 =	vand.u32 $0x7F, v10;
	v18 =	vld.idx.msk [tilespmem:v52+s20+$0x0], $0xffff;
	v14 =	vand.u32 $0xFFFFFE00, v14  }
0x14a: {  	v3 =	vld [tilespmem:s9+$0x20];
	v10 =	vor.u32 v10, v14;
	v14 =	vadd.s32 $0x8080, v7  }
0x14b: {  	v23 =	vadd.s32 $0x8000, v10;
	[tilespmem:s7+$0xFFFFFF80] =	vst v13;
	v13 =	vld.idx.msk [tilespmem:v19+s20+$0x0], $0xffff  }
0x14c: {  	v54 =	vadd.s32 $0x8080, v9;
	[tilespmem:s7+$0xFFFFFF30] =	vst v5;
	v8 =	vld.idx.msk [tilespmem:v8+s20+$0x0], $0xffff  }
0x14d: {  	v15 =	vadd.s32 $0x8080, v17;
	[tilespmem:s7+$0xFFFFFFD0] =	vst v21;
	v20 =	vld.idx.msk [tilespmem:v20+s20+$0x0], $0xffff  }
0x14e: {  	v4 =	vadd.s32 $0x8180, v4;
	[tilespmem:s7+$0xFFFFFF60] =	vst v18;
	v18 =	vld.idx.msk [tilespmem:v55+s20+$0x0], $0xffff  }
0x14f: {  	[tilespmem:s7+$0xF0] =	vst v11;
	v11 =	vadd.s32 $0x8080, v6;
	v14 =	vld.idx.msk [tilespmem:v14+s20+$0x0], $0xffff  }
0x150: {  	v56 =	vadd.s32 $0x8100, v7;
	v23 =	vld.idx.msk [tilespmem:v23+s20+$0x0], $0xffff;
	[tilespmem:s7+$0xFFFFFF10] =	vst v13  }
0x151: {  	v5 =	vshll.u32 v53, $0x2;
	v24 =	vadd.s32 $0x8080, v10;
	v13 =	vld.idx.msk [tilespmem:v54+s20+$0x0], $0xffff;
	[tilespmem:s7+$0x0] =	vst v8  }
0x152: {  	v57 =	vadd.s32 $0x8100, v9;
	v5 =	vand.u32 $0xFFFFFE00, v5;
	v8 =	vld.idx.msk [tilespmem:v15+s20+$0x0], $0xffff;
	v15 =	vand.u32 $0x7F, v53;
	[tilespmem:s7+$0xFFFFFF40] =	vst v20  }
0x153: {  	v4 =	vld.idx.msk [tilespmem:v4+s20+$0x0], $0xffff;
	v5 =	vor.u32 v15, v5;
	v15 =	vadd.s32 $0x8100, v17;
	[tilespmem:s7+$0x50] =	vst v18  }
0x154: {  	v12 =	vadd.s32 $0x8180, v12;
	v11 =	vld.idx.msk [tilespmem:v11+s20+$0x0], $0xffff;
	[tilespmem:s7+$0xFFFFFFE0] =	vst v14  }
0x155: {  	v58 =	vadd.s32 $0x8000, v5;
	[tilespmem:s7+$0xFFFFFF20] =	vst v23;
	v19 =	vld.idx.msk [tilespmem:v56+s20+$0x0], $0xffff  }
0x156: {  	v14 =	vadd.s32 $0x8100, v6;
	[tilespmem:s7+$0xFFFFFFB0] =	vst v13;
	v59 =	vld.idx.msk [tilespmem:v24+s20+$0x0], $0xffff  }
0x157: {  	v7 =	vadd.s32 $0x8180, v7;
	[tilespmem:s7+$0xFFFFFF90] =	vst v8;
	v8 =	vld.idx.msk [tilespmem:v57+s20+$0x0], $0xffff  }
0x158: {  	v13 =	vadd.s32 $0x8100, v10;
	[tilespmem:s7+$0x80] =	vst v4;
	v4 =	vld.idx.msk [tilespmem:v15+s20+$0x0], $0xffff  }
0x159: {  	v9 =	vadd.s32 $0x8180, v9;
	v12 =	vld.idx.msk [tilespmem:v12+s20+$0x0], $0xffff;
	[tilespmem:s7+$0xFFFFFFC0] =	vst v11  }
0x15a: {  	v15 =	vld.idx.msk [tilespmem:v58+s20+$0x0], $0xffff;
	[tilespmem:s7+$0x60] =	vst v19  }
0x15b: {  	v11 =	vadd.s32 $0x8180, v17;
	v14 =	vld.idx.msk [tilespmem:v14+s20+$0x0], $0xffff;
	[tilespmem:s7+$0xFFFFFFA0] =	vst v59  }
0x15c: {  	v60 =	vadd.s32 $0x8080, v5;
	v62 =	vld.idx.msk [tilespmem:v7+s20+$0x0], $0xffff;
	[tilespmem:s7+$0x30] =	vst v8  }
0x15d: {  	v61 =	vadd.s32 $0x8180, v6;
	v63 =	vld.idx.msk [tilespmem:v13+s20+$0x0], $0xffff;
	[tilespmem:s7+$0x10] =	vst v4;
	v4 =	vshll.u32 v22, $0x2  }
0x15e: {  	s8 =	simm.s32 $0x11300;
	[tilespmem:s7+$0xD0] =	vst v12;
	v8 =	vld.idx.msk [tilespmem:v9+s20+$0x0], $0xffff;
	v9 =	vand.u32 $0x7F, v22;
	v4 =	vand.u32 $0xFFFFFE00, v4  }
0x15f: {  	v10 =	vadd.s32 $0x8180, v10;
	v12 =	vld [tilespmem:s9+$0xFFFFFFF0];
	[tilespmem:s8+$0xFFFFFF70] =	vst v15;
	v4 =	vor.u32 v9, v4  }
0x160: {  	v6 =	vld.idx.msk [tilespmem:v11+s20+$0x0], $0xffff;
	[tilespmem:s7+$0x40] =	vst v14;
	v14 =	vadd.s32 $0x8000, v4  }
0x161: {  	v11 =	vld.idx.msk [tilespmem:v60+s20+$0x0], $0xffff  }
0x162: {  	v13 =	vadd.s32 $0x8100, v5;
	v7 =	vld.idx.msk [tilespmem:v61+s20+$0x0], $0xffff;
	[tilespmem:s7+$0xE0] =	vst v62  }
0x163: {  	s17 =	simm.s32 $0x80;
	v9 =	vld [tilespmem:s9+$0xFFFFFFE0];
	[tilespmem:s7+$0x20] =	vst v63  }
.LBB2_11:
0x164: {  	s17 =	sadd.s32 $0x80, s17;
	v15 =	vadd.s32 $0x8080, v4;
	v16 =	vshll.u32 v3, $0x2;
	v5 =	vadd.s32 $0x8180, v5;
	v10 =	vld.idx.msk [tilespmem:v10+s20+$0x0], $0xffff  }
0x165: {  	v17 =	vshll.u32 v2, $0x2;
	v3 =	vand.u32 $0x7F, v3;
	s9 =	sadd.s32 $0x80, s9;
	p1 =	slt.u32 s17, $0xF80;
	v14 =	vld.idx.msk [tilespmem:v14+s20+$0x0], $0xffff;
	v16 =	vand.u32 $0xFFFFFE00, v16;
	[tilespmem:s7+$0xB0] =	vst v8  }
0x166: {  	v18 =	vand.u32 $0x7F, v1;
	v2 =	vand.u32 $0x7F, v2;
	v17 =	vand.u32 $0xFFFFFE00, v17;
	v8 =	vld [tilespmem:s9+$0xFFFFFFD0];
	[tilespmem:s8+$0xFFFFFFF0] =	vst v11  }
0x167: {  	v17 =	vor.u32 v2, v17;
	v11 =	vand.u32 $0x7F, v12;
	v12 =	vshll.u32 v12, $0x2;
	v13 =	vld.idx.msk [tilespmem:v13+s20+$0x0], $0xffff;
	[tilespmem:s7+$0xC0] =	vst v7  }
0x168: {  	v20 =	vadd.s32 $0x8000, v17;
	v7 =	vld [tilespmem:s9+$0x0];
	v19 =	vand.u32 $0x7F, v9;
	v12 =	vand.u32 $0xFFFFFE00, v12;
	[tilespmem:s7+$0x90] =	vst v6  }
0x169: {  	v16 =	vor.u32 v3, v16;
	v6 =	vshll.u32 v0, $0x2;
	v9 =	vshll.u32 v9, $0x2;
	v2 =	vld [tilespmem:s9+$0x10]  }
0x16a: {  	v6 =	vand.u32 $0xFFFFFE00, v6;
	v11 =	vor.u32 v11, v12;
	v12 =	vadd.s32 $0x8000, v16;
	v3 =	vld [tilespmem:s9+$0x20];
	[tilespmem:s7+$0xA0] =	vst v10;
	s7 =	smov.u32 s8  }
0x16b: {  	v1 =	vshll.u32 v1, $0x2;
	v9 =	vand.u32 $0xFFFFFE00, v9;
	v10 =	vld [tilespmem:s9+$0x30];
	[tilespmem:s8+$0xFFFFFF00] =	vst v14;
	v14 =	vand.u32 $0x7F, v0;
	v0 =	vmovc v8  }
0x16c: {  	v23 =	vand.u32 $0xFFFFFE00, v1;
	v8 =	vld.idx.msk [tilespmem:v15+s20+$0x0], $0xffff;
	v6 =	vor.u32 v14, v6;
	v14 =	vadd.s32 $0x8000, v11  }
0x16d: {  	v18 =	vor.u32 v18, v23;
	v9 =	vor.u32 v19, v9;
	v15 =	vadd.s32 $0x8000, v6;
	v19 =	vld.idx.msk [tilespmem:v20+s20+$0x0], $0xffff;
	[tilespmem:s8+$0x70] =	vst v13  }
0x16e: {  	v21 =	vadd.s32 $0x8000, v18;
	v13 =	vadd.s32 $0x8100, v4;
	v20 =	vadd.s32 $0x8000, v9;
	v1 =	vmovc v7;
	v22 =	vld.idx.msk [tilespmem:v5+s20+$0x0], $0xffff  }
0x16f: {  	v7 =	vadd.s32 $0x8080, v17;
	v12 =	vld.idx.msk [tilespmem:v12+s20+$0x0], $0xffff  }
0x170: {  	v23 =	vld [tilespmem:s9+$0xFFFFFFC0];
	v5 =	vshll.u32 v10, $0x2  }
0x171: {  	v24 =	vadd.s32 $0x8080, v16;
	v10 =	vand.u32 $0x7F, v10;
	v5 =	vand.u32 $0xFFFFFE00, v5;
	v14 =	vld.idx.msk [tilespmem:v14+s20+$0x0], $0xffff  }
0x172: {  	v5 =	vor.u32 v10, v5;
	[tilespmem:s8+$0xFFFFFF80] =	vst v8;
	v8 =	vld.idx.msk [tilespmem:v15+s20+$0x0], $0xffff  }
0x173: {  	v10 =	vld.idx.msk [tilespmem:v13+s20+$0x0], $0xffff;
	v13 =	vadd.s32 $0x8080, v11;
	[tilespmem:s8+$0xFFFFFF50] =	vst v19  }
0x174: {  	v15 =	vadd.s32 $0x8180, v4;
	v19 =	vadd.s32 $0x8080, v6;
	v21 =	vld.idx.msk [tilespmem:v21+s20+$0x0], $0xffff;
	[tilespmem:s8+$0xF0] =	vst v22  }
0x175: {  	v25 =	vadd.s32 $0x8080, v18;
	v22 =	vadd.s32 $0x8080, v9;
	v4 =	vshll.u32 v23, $0x2;
	v7 =	vld.idx.msk [tilespmem:v7+s20+$0x0], $0xffff;
	[tilespmem:s8+$0xFFFFFF60] =	vst v12  }
0x176: {  	v12 =	vand.u32 $0x7F, v23;
	v23 =	vadd.s32 $0x8100, v17;
	v4 =	vand.u32 $0xFFFFFE00, v4;
	v24 =	vld.idx.msk [tilespmem:v24+s20+$0x0], $0xffff  }
0x177: {  	v4 =	vor.u32 v12, v4;
	v12 =	vld.idx.msk [tilespmem:v20+s20+$0x0], $0xffff;
	[tilespmem:s8+$0xFFFFFF30] =	vst v14  }
0x178: {  	[tilespmem:s8+$0xFFFFFF10] =	vst v8;
	v8 =	vld.idx.msk [tilespmem:v13+s20+$0x0], $0xffff;
	v13 =	vadd.s32 $0x8100, v16  }
0x179: {  	[tilespmem:s8+$0x0] =	vst v10;
	v10 =	vld.idx.msk [tilespmem:v19+s20+$0x0], $0xffff  }
0x17a: {  	v14 =	vld.idx.msk [tilespmem:v15+s20+$0x0], $0xffff;
	v15 =	vadd.s32 $0x8100, v11;
	[tilespmem:s8+$0xFFFFFF40] =	vst v21  }
0x17b: {  	v19 =	vadd.s32 $0x8100, v6;
	v20 =	vld.idx.msk [tilespmem:v25+s20+$0x0], $0xffff;
	[tilespmem:s8+$0xFFFFFFD0] =	vst v7  }
0x17c: {  	v21 =	vadd.s32 $0x8100, v9;
	v7 =	vadd.s32 $0x8000, v5;
	v25 =	vadd.s32 $0x8100, v18;
	v23 =	vld.idx.msk [tilespmem:v23+s20+$0x0], $0xffff;
	[tilespmem:s8+$0xFFFFFFE0] =	vst v24  }
0x17d: {  	[tilespmem:s8+$0xFFFFFF20] =	vst v12;
	v12 =	vld.idx.msk [tilespmem:v13+s20+$0x0], $0xffff  }
0x17e: {  	v13 =	vld.idx.msk [tilespmem:v22+s20+$0x0], $0xffff;
	[tilespmem:s8+$0xFFFFFFB0] =	vst v8;
	v8 =	vadd.s32 $0x8180, v17  }
0x17f: {  	[tilespmem:s8+$0xFFFFFF90] =	vst v10;
	v15 =	vld.idx.msk [tilespmem:v15+s20+$0x0], $0xffff;
	v10 =	vadd.s32 $0x8180, v16  }
0x180: {  	[tilespmem:s8+$0x80] =	vst v14;
	v14 =	vld.idx.msk [tilespmem:v19+s20+$0x0], $0xffff  }
0x181: {  	v11 =	vadd.s32 $0x8180, v11;
	v7 =	vld.idx.msk [tilespmem:v7+s20+$0x0], $0xffff;
	[tilespmem:s8+$0xFFFFFFC0] =	vst v20  }
0x182: {  	v6 =	vadd.s32 $0x8180, v6;
	v16 =	vld.idx.msk [tilespmem:v25+s20+$0x0], $0xffff;
	[tilespmem:s8+$0x50] =	vst v23  }
0x183: {  	v17 =	vadd.s32 $0x8080, v5;
	v19 =	vld.idx.msk [tilespmem:v8+s20+$0x0], $0xffff;
	[tilespmem:s8+$0x60] =	vst v12  }
0x184: {  	v12 =	vadd.s32 $0x8180, v18;
	[tilespmem:s8+$0xFFFFFFA0] =	vst v13;
	v18 =	vld.idx.msk [tilespmem:v10+s20+$0x0], $0xffff  }
0x185: {  	v10 =	vadd.s32 $0x8180, v9;
	v20 =	vld.idx.msk [tilespmem:v21+s20+$0x0], $0xffff;
	[tilespmem:s8+$0x30] =	vst v15  }
0x186: {  	s8 =	sadd.s32 $0x200, s8;
	[tilespmem:s7+$0x10] =	vst v14;
	v8 =	vld.idx.msk [tilespmem:v11+s20+$0x0], $0xffff  }
.Ltmp7:
0x187: {  	[tilespmem:s8+$0xFFFFFF70] =	vst v7;
	v6 =	vld.idx.msk [tilespmem:v6+s20+$0x0], $0xffff;
	(pc) =	sbr.rel @p1 .LBB2_11-.Ltmp7, $4  }
0x188: {  	v14 =	vadd.s32 $0x8000, v4;
	v11 =	vld.idx.msk [tilespmem:v17+s20+$0x0], $0xffff;
	[tilespmem:s7+$0x40] =	vst v16  }
0x189: {  	v7 =	vld.idx.msk [tilespmem:v12+s20+$0x0], $0xffff;
	[tilespmem:s7+$0xD0] =	vst v19  }
0x18a: {  	v13 =	vadd.s32 $0x8100, v5;
	v12 =	vld [tilespmem:s9+$0xFFFFFFF0];
	[tilespmem:s7+$0xE0] =	vst v18  }
0x18b: {  	v9 =	vld [tilespmem:s9+$0xFFFFFFE0];
	[tilespmem:s7+$0x20] =	vst v20  }
0x18c: {  	_ =	sdelay $0x1  }
0x18d: {  	v15 =	vadd.s32 $0x8080, v4  }
0x18e: {  	v16 =	vshll.u32 v3, $0x2;
	v5 =	vadd.s32 $0x8180, v5;
	v17 =	vshll.u32 v2, $0x2  }
0x18f: {  	v14 =	vld.idx.msk [tilespmem:v14+s20+$0x0], $0xffff;
	v3 =	vand.u32 $0x7F, v3;
	v2 =	vand.u32 $0x7F, v2;
	v17 =	vand.u32 $0xFFFFFE00, v17  }
0x190: {  	v18 =	vshll.u32 v0, $0x2;
	v16 =	vand.u32 $0xFFFFFE00, v16;
	[tilespmem:s8+$0xFFFFFFF0] =	vst v11;
	v2 =	vor.u32 v2, v17  }
0x191: {  	v13 =	vld.idx.msk [tilespmem:v13+s20+$0x0], $0xffff;
	v11 =	vand.u32 $0x7F, v12;
	v12 =	vshll.u32 v12, $0x2;
	v17 =	vadd.s32 $0x8000, v2  }
0x192: {  	v0 =	vand.u32 $0x7F, v0;
	v3 =	vor.u32 v3, v16;
	v12 =	vand.u32 $0xFFFFFE00, v12  }
0x193: {  	v44 =	vand.u32 $0xFFFFFE00, v18;
	v11 =	vor.u32 v11, v12;
	v12 =	vadd.s32 $0x8000, v3  }
0x194: {  	v10 =	vld.idx.msk [tilespmem:v10+s20+$0x0], $0xffff;
	v0 =	vor.u32 v0, v44;
	[tilespmem:s8+$0xFFFFFF00] =	vst v14;
	v14 =	vshll.u32 v1, $0x2;
	v45 =	vadd.s32 $0x8000, v11  }
0x195: {  	[tilespmem:s7+$0xB0] =	vst v8;
	v1 =	vand.u32 $0x7F, v1;
	v8 =	vld.idx.msk [tilespmem:v15+s20+$0x0], $0xffff;
	v14 =	vand.u32 $0xFFFFFE00, v14;
	v15 =	vadd.s32 $0x8000, v0  }
0x196: {  	v46 =	vshll.u32 v9, $0x2;
	v1 =	vor.u32 v1, v14;
	[tilespmem:s8+$0x70] =	vst v13;
	v13 =	vadd.s32 $0x8100, v4;
	v14 =	vld.idx.msk [tilespmem:v17+s20+$0x0], $0xffff  }
0x197: {  	[tilespmem:s7+$0xC0] =	vst v7;
	v7 =	vand.u32 $0x7F, v9;
	v9 =	vand.u32 $0xFFFFFE00, v46;
	v47 =	vadd.s32 $0x8000, v1;
	v5 =	vld.idx.msk [tilespmem:v5+s20+$0x0], $0xffff  }
0x198: {  	[tilespmem:s7+$0x90] =	vst v6;
	v6 =	vor.u32 v7, v9;
	v7 =	vadd.s32 $0x8080, v2;
	v9 =	vld.idx.msk [tilespmem:v12+s20+$0x0], $0xffff  }
0x199: {  	[tilespmem:s7+$0xA0] =	vst v10;
	v10 =	vadd.s32 $0x8000, v6;
	v12 =	vld.idx.msk [tilespmem:v45+s20+$0x0], $0xffff  }
0x19a: {  	v48 =	vadd.s32 $0x8080, v3;
	[tilespmem:s8+$0xFFFFFF80] =	vst v8;
	v8 =	vld.idx.msk [tilespmem:v15+s20+$0x0], $0xffff  }
0x19b: {  	v15 =	vadd.s32 $0x8080, v11;
	v13 =	vld.idx.msk [tilespmem:v13+s20+$0x0], $0xffff;
	[tilespmem:s8+$0xFFFFFF50] =	vst v14  }
0x19c: {  	v14 =	vadd.s32 $0x8080, v0;
	v17 =	vld.idx.msk [tilespmem:v47+s20+$0x0], $0xffff;
	[tilespmem:s8+$0xF0] =	vst v5  }
0x19d: {  	v5 =	vadd.s32 $0x8080, v1;
	v7 =	vld.idx.msk [tilespmem:v7+s20+$0x0], $0xffff;
	[tilespmem:s8+$0xFFFFFF60] =	vst v9  }
0x19e: {  	v4 =	vadd.s32 $0x8180, v4;
	v9 =	vld.idx.msk [tilespmem:v10+s20+$0x0], $0xffff;
	[tilespmem:s8+$0xFFFFFF30] =	vst v12  }
0x19f: {  	v10 =	vadd.s32 $0x8080, v6;
	v12 =	vld.idx.msk [tilespmem:v48+s20+$0x0], $0xffff;
	[tilespmem:s8+$0xFFFFFF10] =	vst v8  }
0x1a0: {  	v8 =	vadd.s32 $0x8100, v2;
	v15 =	vld.idx.msk [tilespmem:v15+s20+$0x0], $0xffff;
	[tilespmem:s8+$0x0] =	vst v13  }
0x1a1: {  	v13 =	vadd.s32 $0x8100, v3;
	v14 =	vld.idx.msk [tilespmem:v14+s20+$0x0], $0xffff;
	[tilespmem:s8+$0xFFFFFF40] =	vst v17  }
0x1a2: {  	v49 =	vadd.s32 $0x8100, v11;
	v5 =	vld.idx.msk [tilespmem:v5+s20+$0x0], $0xffff;
	[tilespmem:s8+$0xFFFFFFD0] =	vst v7  }
0x1a3: {  	v4 =	vld.idx.msk [tilespmem:v4+s20+$0x0], $0xffff;
	v7 =	vadd.s32 $0x8100, v1;
	[tilespmem:s8+$0xFFFFFF20] =	vst v9  }
0x1a4: {  	v9 =	vadd.s32 $0x8100, v0;
	[tilespmem:s8+$0xFFFFFFE0] =	vst v12;
	v10 =	vld.idx.msk [tilespmem:v10+s20+$0x0], $0xffff  }
0x1a5: {  	v12 =	vadd.s32 $0x8100, v6;
	v8 =	vld.idx.msk [tilespmem:v8+s20+$0x0], $0xffff;
	[tilespmem:s8+$0xFFFFFFB0] =	vst v15  }
0x1a6: {  	v2 =	vadd.s32 $0x8180, v2;
	v13 =	vld.idx.msk [tilespmem:v13+s20+$0x0], $0xffff;
	[tilespmem:s8+$0xFFFFFF90] =	vst v14  }
0x1a7: {  	v3 =	vadd.s32 $0x8180, v3;
	v14 =	vld.idx.msk [tilespmem:v49+s20+$0x0], $0xffff;
	[tilespmem:s8+$0xFFFFFFC0] =	vst v5  }
0x1a8: {  	[tilespmem:s8+$0x80] =	vst v4;
	v4 =	vadd.s32 $0x8180, v11;
	v5 =	vld.idx.msk [tilespmem:v7+s20+$0x0], $0xffff  }
0x1a9: {  	v1 =	vadd.s32 $0x8180, v1;
	v7 =	vld.idx.msk [tilespmem:v9+s20+$0x0], $0xffff;
	[tilespmem:s8+$0xFFFFFFA0] =	vst v10  }
0x1aa: {  	v0 =	vadd.s32 $0x8180, v0;
	[tilespmem:s8+$0x50] =	vst v8;
	v8 =	vld.idx.msk [tilespmem:v12+s20+$0x0], $0xffff  }
0x1ab: {  	v6 =	vadd.s32 $0x8180, v6;
	v2 =	vld.idx.msk [tilespmem:v2+s20+$0x0], $0xffff;
	[tilespmem:s8+$0x60] =	vst v13  }
0x1ac: {  	v3 =	vld.idx.msk [tilespmem:v3+s20+$0x0], $0xffff;
	[tilespmem:s8+$0x30] =	vst v14  }
0x1ad: {  	v4 =	vld.idx.msk [tilespmem:v4+s20+$0x0], $0xffff;
	[tilespmem:s8+$0x40] =	vst v5  }
0x1ae: {  	[tilespmem:s8+$0x10] =	vst v7;
	v1 =	vld.idx.msk [tilespmem:v1+s20+$0x0], $0xffff  }
0x1af: {  	v0 =	vld.idx.msk [tilespmem:v0+s20+$0x0], $0xffff;
	[tilespmem:s8+$0x20] =	vst v8  }
0x1b0: {  	[tilespmem:s8+$0xD0] =	vst v2;
	v2 =	vld.idx.msk [tilespmem:v6+s20+$0x0], $0xffff  }
0x1b1: {  	[tilespmem:s8+$0xE0] =	vst v3  }
0x1b2: {  	[tilespmem:s8+$0xB0] =	vst v4  }
0x1b3: {  	[tilespmem:s8+$0xC0] =	vst v1  }
0x1b4: {  	[tilespmem:s8+$0x90] =	vst v0  }
0x1b5: {  	s9 =	sadd.s32 s5, s13;
	s17 =	simm.s32 @!p0 $0x9000;
	[tilespmem:s8+$0xA0] =	vst v2  }
0x1b6: {  	[hbm4b:s9+s18] =	stream.strided.scatter [tilespmem:s26], [sflag:$0x5], $0x4000, s19, s18, $0x38;
	[tilespmem:$0x19000] =	vst v63  }
0x1b7: {  	s7 =	sadd.s32 @!p0 s3, s14;
	s8 =	simm.s32 @!p0 $0x200;
	s9 =	simm.s32 @!p0 $0x400  }
0x1b8: {  	[tilespmem:s17], [sflag:$0x3] =	stream.strided.gather @!p0 [hbm4b:s7+s8], $0x4000, s9, s8, $0x38;
	[tilespmem:$0x19000] =	vst v63  }
0x1b9: {  	_ =	swait.ge [sflag:s2], $0x4000  }
0x1ba: {  	[sflag:s2] =	ssyncset.done $0x0  }
0x1bb: {  	[sflag:s2] =	ssyncadd.s32 $0xFFFFC000  }
0x1bc: {  	_ =	swait.ge [sflag:s29], $0x4000  }
0x1bd: {  	[sflag:s29] =	ssyncset.done $0x0  }
0x1be: {  	s17 =	simm.s32 $0x40;
	[sflag:s29] =	ssyncadd.s32 $0xFFFFC000  }
0x1bf: {  	v0 =	vld [tilespmem:s17+$0x30];
	_ =	sdelay $0x3  }
0x1c0: {  	v2 =	vld [tilespmem:s17+$0xFFFFFFC0]  }
0x1c1: {  	v1 =	vshll.u32 v0, $0x2  }
0x1c2: {  	v0 =	vand.u32 $0x7F, v0;
	v1 =	vand.u32 $0xFFFFFE00, v1  }
0x1c3: {  	v1 =	vor.u32 v0, v1  }
0x1c4: {  	v0 =	vadd.s32 $0xC000, v1  }
0x1c5: {  	v4 =	vshll.u32 v2, $0x2  }
0x1c6: {  	v9 =	vld [tilespmem:s17+$0xFFFFFFF0];
	v2 =	vand.u32 $0x7F, v2;
	v4 =	vand.u32 $0xFFFFFE00, v4  }
0x1c7: {  	v4 =	vor.u32 v2, v4;
	v2 =	vld [tilespmem:s17+$0x10]  }
0x1c8: {  	v5 =	vld [tilespmem:s17+$0xFFFFFFD0]  }
0x1c9: {  	v0 =	vld.idx.msk [tilespmem:v0+s20+$0x0], $0xffff  }
0x1ca: {  	v3 =	vadd.s32 $0xC080, v1;
	_ =	sdelay $0x1  }
0x1cb: {  	v6 =	vld [tilespmem:s17+$0x0];
	v50 =	vand.u32 $0x7F, v9;
	v12 =	vshll.u32 v2, $0x2  }
0x1cc: {  	s7 =	simm.s32 $0x15000;
	v7 =	vld [tilespmem:s17+$0x20];
	v9 =	vshll.u32 v9, $0x2;
	v2 =	vand.u32 $0x7F, v2;
	v12 =	vand.u32 $0xFFFFFE00, v12  }
0x1cd: {  	v10 =	vld [tilespmem:s17+$0xFFFFFFE0];
	v51 =	vshll.u32 v5, $0x2;
	v12 =	vor.u32 v2, v12;
	[tilespmem:s7+$0x70] =	vst v0;
	v0 =	vadd.s32 $0xC000, v4  }
0x1ce: {  	s9 =	simm.s32 $0xC0;
	v5 =	vand.u32 $0x7F, v5;
	v9 =	vand.u32 $0xFFFFFE00, v9;
	v15 =	vadd.s32 $0xC000, v12;
	v3 =	vld.idx.msk [tilespmem:v3+s20+$0x0], $0xffff  }
0x1cf: {  	v53 =	vld [tilespmem:s9+$0x30];
	v17 =	vand.u32 $0xFFFFFE00, v51;
	v9 =	vor.u32 v50, v9;
	v8 =	vadd.s32 $0xC100, v1  }
0x1d0: {  	v22 =	vld [tilespmem:s9+$0xFFFFFFC0];
	v17 =	vor.u32 v5, v17;
	v5 =	vadd.s32 $0xC000, v9  }
0x1d1: {  	v14 =	vadd.s32 $0xC180, v1;
	v1 =	vld [tilespmem:s9+$0x0]  }
0x1d2: {  	v11 =	vld.idx.msk [tilespmem:v0+s20+$0x0], $0xffff  }
0x1d3: {  	v13 =	vadd.s32 $0xC080, v4;
	v15 =	vld.idx.msk [tilespmem:v15+s20+$0x0], $0xffff;
	[tilespmem:s7+$0xF0] =	vst v3;
	v3 =	vshll.u32 v7, $0x2  }
0x1d4: {  	v21 =	vadd.s32 $0xC080, v12;
	v7 =	vand.u32 $0x7F, v7;
	v8 =	vld.idx.msk [tilespmem:v8+s20+$0x0], $0xffff;
	v3 =	vand.u32 $0xFFFFFE00, v3  }
0x1d5: {  	v5 =	vld.idx.msk [tilespmem:v5+s20+$0x0], $0xffff;
	v7 =	vor.u32 v7, v3  }
0x1d6: {  	v2 =	vld [tilespmem:s9+$0x10];
	v52 =	vadd.s32 $0xC000, v7  }
0x1d7: {  	v0 =	vld [tilespmem:s9+$0xFFFFFFD0];
	[tilespmem:s7+$0x0] =	vst v11;
	v11 =	vshll.u32 v6, $0x2  }
0x1d8: {  	v19 =	vadd.s32 $0xC000, v17;
	[tilespmem:s7+$0x50] =	vst v15;
	v6 =	vand.u32 $0x7F, v6;
	v13 =	vld.idx.msk [tilespmem:v13+s20+$0x0], $0xffff;
	v11 =	vand.u32 $0xFFFFFE00, v11  }
0x1d9: {  	v21 =	vld.idx.msk [tilespmem:v21+s20+$0x0], $0xffff;
	[tilespmem:s7+$0x170] =	vst v8;
	v6 =	vor.u32 v6, v11;
	v8 =	vadd.s32 $0xC100, v4  }
0x1da: {  	v11 =	vld.idx.msk [tilespmem:v14+s20+$0x0], $0xffff;
	v14 =	vshll.u32 v10, $0x2;
	v20 =	vadd.s32 $0xC000, v6  }
0x1db: {  	v55 =	vadd.s32 $0xC100, v12;
	v10 =	vand.u32 $0x7F, v10;
	v18 =	vld.idx.msk [tilespmem:v52+s20+$0x0], $0xffff;
	v14 =	vand.u32 $0xFFFFFE00, v14  }
0x1dc: {  	v3 =	vld [tilespmem:s9+$0x20];
	v10 =	vor.u32 v10, v14;
	v14 =	vadd.s32 $0xC080, v7  }
0x1dd: {  	v23 =	vadd.s32 $0xC000, v10;
	[tilespmem:s7+$0x80] =	vst v13;
	v13 =	vld.idx.msk [tilespmem:v19+s20+$0x0], $0xffff  }
0x1de: {  	v54 =	vadd.s32 $0xC080, v9;
	[tilespmem:s7+$0x30] =	vst v5;
	v8 =	vld.idx.msk [tilespmem:v8+s20+$0x0], $0xffff  }
0x1df: {  	v15 =	vadd.s32 $0xC080, v17;
	[tilespmem:s7+$0xD0] =	vst v21;
	v20 =	vld.idx.msk [tilespmem:v20+s20+$0x0], $0xffff  }
0x1e0: {  	v4 =	vadd.s32 $0xC180, v4;
	[tilespmem:s7+$0x60] =	vst v18;
	v18 =	vld.idx.msk [tilespmem:v55+s20+$0x0], $0xffff  }
0x1e1: {  	[tilespmem:s7+$0x1F0] =	vst v11;
	v11 =	vadd.s32 $0xC080, v6;
	v14 =	vld.idx.msk [tilespmem:v14+s20+$0x0], $0xffff  }
0x1e2: {  	v56 =	vadd.s32 $0xC100, v7;
	v23 =	vld.idx.msk [tilespmem:v23+s20+$0x0], $0xffff;
	[tilespmem:s7+$0x10] =	vst v13  }
0x1e3: {  	v5 =	vshll.u32 v53, $0x2;
	v24 =	vadd.s32 $0xC080, v10;
	v13 =	vld.idx.msk [tilespmem:v54+s20+$0x0], $0xffff;
	[tilespmem:s7+$0x100] =	vst v8  }
0x1e4: {  	v57 =	vadd.s32 $0xC100, v9;
	v5 =	vand.u32 $0xFFFFFE00, v5;
	v8 =	vld.idx.msk [tilespmem:v15+s20+$0x0], $0xffff;
	v15 =	vand.u32 $0x7F, v53;
	[tilespmem:s7+$0x40] =	vst v20  }
0x1e5: {  	v4 =	vld.idx.msk [tilespmem:v4+s20+$0x0], $0xffff;
	v5 =	vor.u32 v15, v5;
	v15 =	vadd.s32 $0xC100, v17;
	[tilespmem:s7+$0x150] =	vst v18  }
0x1e6: {  	v12 =	vadd.s32 $0xC180, v12;
	v11 =	vld.idx.msk [tilespmem:v11+s20+$0x0], $0xffff;
	[tilespmem:s7+$0xE0] =	vst v14  }
0x1e7: {  	v58 =	vadd.s32 $0xC000, v5;
	[tilespmem:s7+$0x20] =	vst v23;
	v19 =	vld.idx.msk [tilespmem:v56+s20+$0x0], $0xffff  }
0x1e8: {  	v14 =	vadd.s32 $0xC100, v6;
	[tilespmem:s7+$0xB0] =	vst v13;
	v59 =	vld.idx.msk [tilespmem:v24+s20+$0x0], $0xffff  }
0x1e9: {  	v7 =	vadd.s32 $0xC180, v7;
	[tilespmem:s7+$0x90] =	vst v8;
	v8 =	vld.idx.msk [tilespmem:v57+s20+$0x0], $0xffff  }
0x1ea: {  	v13 =	vadd.s32 $0xC100, v10;
	[tilespmem:s7+$0x180] =	vst v4;
	v4 =	vld.idx.msk [tilespmem:v15+s20+$0x0], $0xffff  }
0x1eb: {  	v9 =	vadd.s32 $0xC180, v9;
	v12 =	vld.idx.msk [tilespmem:v12+s20+$0x0], $0xffff;
	[tilespmem:s7+$0xC0] =	vst v11  }
0x1ec: {  	v15 =	vld.idx.msk [tilespmem:v58+s20+$0x0], $0xffff;
	[tilespmem:s7+$0x160] =	vst v19  }
0x1ed: {  	v11 =	vadd.s32 $0xC180, v17;
	v14 =	vld.idx.msk [tilespmem:v14+s20+$0x0], $0xffff;
	[tilespmem:s7+$0xA0] =	vst v59  }
0x1ee: {  	v60 =	vadd.s32 $0xC080, v5;
	v62 =	vld.idx.msk [tilespmem:v7+s20+$0x0], $0xffff;
	[tilespmem:s7+$0x130] =	vst v8  }
0x1ef: {  	v61 =	vadd.s32 $0xC180, v6;
	v63 =	vld.idx.msk [tilespmem:v13+s20+$0x0], $0xffff;
	[tilespmem:s7+$0x110] =	vst v4;
	v4 =	vshll.u32 v22, $0x2  }
0x1f0: {  	s8 =	simm.s32 $0x15200;
	[tilespmem:s7+$0x1D0] =	vst v12;
	v8 =	vld.idx.msk [tilespmem:v9+s20+$0x0], $0xffff;
	v9 =	vand.u32 $0x7F, v22;
	v4 =	vand.u32 $0xFFFFFE00, v4  }
0x1f1: {  	v10 =	vadd.s32 $0xC180, v10;
	v12 =	vld [tilespmem:s9+$0xFFFFFFF0];
	[tilespmem:s8+$0x70] =	vst v15;
	v4 =	vor.u32 v9, v4  }
0x1f2: {  	v6 =	vld.idx.msk [tilespmem:v11+s20+$0x0], $0xffff;
	[tilespmem:s7+$0x140] =	vst v14;
	v14 =	vadd.s32 $0xC000, v4  }
0x1f3: {  	v11 =	vld.idx.msk [tilespmem:v60+s20+$0x0], $0xffff  }
0x1f4: {  	v13 =	vadd.s32 $0xC100, v5;
	v7 =	vld.idx.msk [tilespmem:v61+s20+$0x0], $0xffff;
	[tilespmem:s7+$0x1E0] =	vst v62  }
0x1f5: {  	s17 =	simm.s32 $0x80;
	v9 =	vld [tilespmem:s9+$0xFFFFFFE0];
	[tilespmem:s7+$0x120] =	vst v63  }
.LBB2_13:
0x1f6: {  	s17 =	sadd.s32 $0x80, s17;
	v15 =	vadd.s32 $0xC080, v4;
	v16 =	vshll.u32 v3, $0x2;
	v5 =	vadd.s32 $0xC180, v5;
	v10 =	vld.idx.msk [tilespmem:v10+s20+$0x0], $0xffff  }
0x1f7: {  	v17 =	vshll.u32 v2, $0x2;
	v3 =	vand.u32 $0x7F, v3;
	s9 =	sadd.s32 $0x80, s9;
	p1 =	slt.u32 s17, $0xF80;
	v14 =	vld.idx.msk [tilespmem:v14+s20+$0x0], $0xffff;
	v16 =	vand.u32 $0xFFFFFE00, v16;
	[tilespmem:s7+$0x1B0] =	vst v8  }
0x1f8: {  	v18 =	vand.u32 $0x7F, v1;
	v2 =	vand.u32 $0x7F, v2;
	v17 =	vand.u32 $0xFFFFFE00, v17;
	v8 =	vld [tilespmem:s9+$0xFFFFFFD0];
	[tilespmem:s8+$0xF0] =	vst v11  }
0x1f9: {  	v17 =	vor.u32 v2, v17;
	v11 =	vand.u32 $0x7F, v12;
	v12 =	vshll.u32 v12, $0x2;
	v13 =	vld.idx.msk [tilespmem:v13+s20+$0x0], $0xffff;
	[tilespmem:s7+$0x1C0] =	vst v7  }
0x1fa: {  	v20 =	vadd.s32 $0xC000, v17;
	v7 =	vld [tilespmem:s9+$0x0];
	v19 =	vand.u32 $0x7F, v9;
	v12 =	vand.u32 $0xFFFFFE00, v12;
	[tilespmem:s7+$0x190] =	vst v6  }
0x1fb: {  	v16 =	vor.u32 v3, v16;
	v6 =	vshll.u32 v0, $0x2;
	v9 =	vshll.u32 v9, $0x2;
	v2 =	vld [tilespmem:s9+$0x10]  }
0x1fc: {  	v6 =	vand.u32 $0xFFFFFE00, v6;
	v11 =	vor.u32 v11, v12;
	v12 =	vadd.s32 $0xC000, v16;
	v3 =	vld [tilespmem:s9+$0x20];
	[tilespmem:s7+$0x1A0] =	vst v10;
	s7 =	smov.u32 s8  }
0x1fd: {  	v1 =	vshll.u32 v1, $0x2;
	v9 =	vand.u32 $0xFFFFFE00, v9;
	v10 =	vld [tilespmem:s9+$0x30];
	[tilespmem:s8+$0x0] =	vst v14;
	v14 =	vand.u32 $0x7F, v0;
	v0 =	vmovc v8  }
0x1fe: {  	v23 =	vand.u32 $0xFFFFFE00, v1;
	v8 =	vld.idx.msk [tilespmem:v15+s20+$0x0], $0xffff;
	v6 =	vor.u32 v14, v6;
	v14 =	vadd.s32 $0xC000, v11  }
0x1ff: {  	v18 =	vor.u32 v18, v23;
	v9 =	vor.u32 v19, v9;
	v15 =	vadd.s32 $0xC000, v6;
	v19 =	vld.idx.msk [tilespmem:v20+s20+$0x0], $0xffff;
	[tilespmem:s8+$0x170] =	vst v13  }
0x200: {  	v21 =	vadd.s32 $0xC000, v18;
	v13 =	vadd.s32 $0xC100, v4;
	v20 =	vadd.s32 $0xC000, v9;
	v1 =	vmovc v7;
	v22 =	vld.idx.msk [tilespmem:v5+s20+$0x0], $0xffff  }
0x201: {  	v7 =	vadd.s32 $0xC080, v17;
	v12 =	vld.idx.msk [tilespmem:v12+s20+$0x0], $0xffff  }
0x202: {  	v23 =	vld [tilespmem:s9+$0xFFFFFFC0];
	v5 =	vshll.u32 v10, $0x2  }
0x203: {  	v24 =	vadd.s32 $0xC080, v16;
	v10 =	vand.u32 $0x7F, v10;
	v5 =	vand.u32 $0xFFFFFE00, v5;
	v14 =	vld.idx.msk [tilespmem:v14+s20+$0x0], $0xffff  }
0x204: {  	v5 =	vor.u32 v10, v5;
	[tilespmem:s8+$0x80] =	vst v8;
	v8 =	vld.idx.msk [tilespmem:v15+s20+$0x0], $0xffff  }
0x205: {  	v10 =	vld.idx.msk [tilespmem:v13+s20+$0x0], $0xffff;
	v13 =	vadd.s32 $0xC080, v11;
	[tilespmem:s8+$0x50] =	vst v19  }
0x206: {  	v15 =	vadd.s32 $0xC180, v4;
	v19 =	vadd.s32 $0xC080, v6;
	v21 =	vld.idx.msk [tilespmem:v21+s20+$0x0], $0xffff;
	[tilespmem:s8+$0x1F0] =	vst v22  }
0x207: {  	v25 =	vadd.s32 $0xC080, v18;
	v22 =	vadd.s32 $0xC080, v9;
	v4 =	vshll.u32 v23, $0x2;
	v7 =	vld.idx.msk [tilespmem:v7+s20+$0x0], $0xffff;
	[tilespmem:s8+$0x60] =	vst v12  }
0x208: {  	v12 =	vand.u32 $0x7F, v23;
	v23 =	vadd.s32 $0xC100, v17;
	v4 =	vand.u32 $0xFFFFFE00, v4;
	v24 =	vld.idx.msk [tilespmem:v24+s20+$0x0], $0xffff  }
0x209: {  	v4 =	vor.u32 v12, v4;
	v12 =	vld.idx.msk [tilespmem:v20+s20+$0x0], $0xffff;
	[tilespmem:s8+$0x30] =	vst v14  }
0x20a: {  	[tilespmem:s8+$0x10] =	vst v8;
	v8 =	vld.idx.msk [tilespmem:v13+s20+$0x0], $0xffff;
	v13 =	vadd.s32 $0xC100, v16  }
0x20b: {  	[tilespmem:s8+$0x100] =	vst v10;
	v10 =	vld.idx.msk [tilespmem:v19+s20+$0x0], $0xffff  }
0x20c: {  	v14 =	vld.idx.msk [tilespmem:v15+s20+$0x0], $0xffff;
	v15 =	vadd.s32 $0xC100, v11;
	[tilespmem:s8+$0x40] =	vst v21  }
0x20d: {  	v19 =	vadd.s32 $0xC100, v6;
	v20 =	vld.idx.msk [tilespmem:v25+s20+$0x0], $0xffff;
	[tilespmem:s8+$0xD0] =	vst v7  }
0x20e: {  	v21 =	vadd.s32 $0xC100, v9;
	v7 =	vadd.s32 $0xC000, v5;
	v25 =	vadd.s32 $0xC100, v18;
	v23 =	vld.idx.msk [tilespmem:v23+s20+$0x0], $0xffff;
	[tilespmem:s8+$0xE0] =	vst v24  }
0x20f: {  	[tilespmem:s8+$0x20] =	vst v12;
	v12 =	vld.idx.msk [tilespmem:v13+s20+$0x0], $0xffff  }
0x210: {  	v13 =	vld.idx.msk [tilespmem:v22+s20+$0x0], $0xffff;
	[tilespmem:s8+$0xB0] =	vst v8;
	v8 =	vadd.s32 $0xC180, v17  }
0x211: {  	[tilespmem:s8+$0x90] =	vst v10;
	v15 =	vld.idx.msk [tilespmem:v15+s20+$0x0], $0xffff;
	v10 =	vadd.s32 $0xC180, v16  }
0x212: {  	[tilespmem:s8+$0x180] =	vst v14;
	v14 =	vld.idx.msk [tilespmem:v19+s20+$0x0], $0xffff  }
0x213: {  	v11 =	vadd.s32 $0xC180, v11;
	v7 =	vld.idx.msk [tilespmem:v7+s20+$0x0], $0xffff;
	[tilespmem:s8+$0xC0] =	vst v20  }
0x214: {  	v6 =	vadd.s32 $0xC180, v6;
	v16 =	vld.idx.msk [tilespmem:v25+s20+$0x0], $0xffff;
	[tilespmem:s8+$0x150] =	vst v23  }
0x215: {  	v17 =	vadd.s32 $0xC080, v5;
	v19 =	vld.idx.msk [tilespmem:v8+s20+$0x0], $0xffff;
	[tilespmem:s8+$0x160] =	vst v12  }
0x216: {  	v12 =	vadd.s32 $0xC180, v18;
	[tilespmem:s8+$0xA0] =	vst v13;
	v18 =	vld.idx.msk [tilespmem:v10+s20+$0x0], $0xffff  }
0x217: {  	v10 =	vadd.s32 $0xC180, v9;
	v20 =	vld.idx.msk [tilespmem:v21+s20+$0x0], $0xffff;
	[tilespmem:s8+$0x130] =	vst v15  }
0x218: {  	s8 =	sadd.s32 $0x200, s8;
	[tilespmem:s7+$0x110] =	vst v14;
	v8 =	vld.idx.msk [tilespmem:v11+s20+$0x0], $0xffff  }
.Ltmp8:
0x219: {  	[tilespmem:s8+$0x70] =	vst v7;
	v6 =	vld.idx.msk [tilespmem:v6+s20+$0x0], $0xffff;
	(pc) =	sbr.rel @p1 .LBB2_13-.Ltmp8, $4  }
0x21a: {  	v14 =	vadd.s32 $0xC000, v4;
	v11 =	vld.idx.msk [tilespmem:v17+s20+$0x0], $0xffff;
	[tilespmem:s7+$0x140] =	vst v16  }
0x21b: {  	v7 =	vld.idx.msk [tilespmem:v12+s20+$0x0], $0xffff;
	[tilespmem:s7+$0x1D0] =	vst v19  }
0x21c: {  	v13 =	vadd.s32 $0xC100, v5;
	v12 =	vld [tilespmem:s9+$0xFFFFFFF0];
	[tilespmem:s7+$0x1E0] =	vst v18  }
0x21d: {  	v9 =	vld [tilespmem:s9+$0xFFFFFFE0];
	[tilespmem:s7+$0x120] =	vst v20  }
0x21e: {  	_ =	sdelay $0x1  }
0x21f: {  	v15 =	vadd.s32 $0xC080, v4;
	v16 =	vshll.u32 v3, $0x2;
	v5 =	vadd.s32 $0xC180, v5  }
0x220: {  	v17 =	vshll.u32 v2, $0x2;
	v21 =	vand.u32 $0x7F, v3;
	v22 =	vand.u32 $0x7F, v2  }
0x221: {  	v14 =	vld.idx.msk [tilespmem:v14+s20+$0x0], $0xffff;
	v18 =	vshll.u32 v0, $0x2;
	v27 =	vand.u32 $0x7F, v0;
	v17 =	vand.u32 $0xFFFFFE00, v17  }
0x222: {  	v28 =	vshll.u32 v1, $0x2;
	v30 =	vand.u32 $0x7F, v1;
	[tilespmem:s8+$0xF0] =	vst v11;
	v2 =	vor.u32 v22, v17  }
0x223: {  	v16 =	vand.u32 $0xFFFFFE00, v16;
	v25 =	vand.u32 $0xFFFFFE00, v18;
	v13 =	vld.idx.msk [tilespmem:v13+s20+$0x0], $0xffff;
	v17 =	vadd.s32 $0xC000, v2  }
0x224: {  	v3 =	vor.u32 v21, v16;
	v0 =	vor.u32 v27, v25;
	v24 =	vshll.u32 v12, $0x2  }
0x225: {  	v23 =	vand.u32 $0x7F, v12;
	v26 =	vadd.s32 $0xC000, v3;
	v12 =	vand.u32 $0xFFFFFE00, v24  }
0x226: {  	v10 =	vld.idx.msk [tilespmem:v10+s20+$0x0], $0xffff;
	v35 =	vadd.s32 $0xC100, v4;
	v32 =	vadd.s32 $0xC000, v0;
	v11 =	vor.u32 v23, v12;
	[tilespmem:s8+$0x0] =	vst v14  }
0x227: {  	[tilespmem:s7+$0x1B0] =	vst v8;
	v33 =	vshll.u32 v9, $0x2;
	v14 =	vand.u32 $0xFFFFFE00, v28;
	v29 =	vadd.s32 $0xC000, v11;
	v31 =	vld.idx.msk [tilespmem:v15+s20+$0x0], $0xffff  }
0x228: {  	v36 =	vand.u32 $0x7F, v9;
	v37 =	vand.u32 $0xFFFFFE00, v33;
	v1 =	vor.u32 v30, v14;
	[tilespmem:s8+$0x170] =	vst v13;
	v34 =	vld.idx.msk [tilespmem:v17+s20+$0x0], $0xffff  }
0x229: {  	[tilespmem:s7+$0x190] =	vst v6;
	v39 =	vor.u32 v36, v37;
	v38 =	vadd.s32 $0xC000, v1;
	v5 =	vld.idx.msk [tilespmem:v5+s20+$0x0], $0xffff  }
0x22a: {  	[tilespmem:s7+$0x1C0] =	vst v7;
	v42 =	vadd.s32 $0xC000, v39;
	v41 =	vld.idx.msk [tilespmem:v26+s20+$0x0], $0xffff  }
0x22b: {  	v40 =	vadd.s32 $0xC080, v2;
	[tilespmem:s7+$0x1A0] =	vst v10;
	v45 =	vld.idx.msk [tilespmem:v32+s20+$0x0], $0xffff  }
0x22c: {  	v44 =	vadd.s32 $0xC080, v3;
	v43 =	vld.idx.msk [tilespmem:v29+s20+$0x0], $0xffff;
	[tilespmem:s8+$0x80] =	vst v31  }
0x22d: {  	v47 =	vadd.s32 $0xC080, v0;
	v13 =	vld.idx.msk [tilespmem:v35+s20+$0x0], $0xffff;
	[tilespmem:s8+$0x50] =	vst v34  }
0x22e: {  	v46 =	vadd.s32 $0xC080, v11;
	v17 =	vld.idx.msk [tilespmem:v38+s20+$0x0], $0xffff;
	[tilespmem:s8+$0x1F0] =	vst v5  }
0x22f: {  	v48 =	vadd.s32 $0xC080, v1;
	v50 =	vld.idx.msk [tilespmem:v42+s20+$0x0], $0xffff;
	[tilespmem:s8+$0x60] =	vst v41  }
0x230: {  	v49 =	vadd.s32 $0xC180, v4;
	[tilespmem:s8+$0x10] =	vst v45;
	v7 =	vld.idx.msk [tilespmem:v40+s20+$0x0], $0xffff  }
0x231: {  	v51 =	vadd.s32 $0xC080, v39;
	v52 =	vld.idx.msk [tilespmem:v44+s20+$0x0], $0xffff;
	[tilespmem:s8+$0x30] =	vst v43  }
0x232: {  	v53 =	vadd.s32 $0xC100, v2;
	v14 =	vld.idx.msk [tilespmem:v47+s20+$0x0], $0xffff;
	[tilespmem:s8+$0x100] =	vst v13  }
0x233: {  	v54 =	vadd.s32 $0xC100, v3;
	v15 =	vld.idx.msk [tilespmem:v46+s20+$0x0], $0xffff;
	[tilespmem:s8+$0x40] =	vst v17  }
0x234: {  	v57 =	vadd.s32 $0xC100, v0;
	[tilespmem:s8+$0x20] =	vst v50;
	v5 =	vld.idx.msk [tilespmem:v48+s20+$0x0], $0xffff  }
0x235: {  	v55 =	vadd.s32 $0xC100, v11;
	v4 =	vld.idx.msk [tilespmem:v49+s20+$0x0], $0xffff;
	[tilespmem:s8+$0xD0] =	vst v7  }
0x236: {  	v56 =	vadd.s32 $0xC100, v1;
	v10 =	vld.idx.msk [tilespmem:v51+s20+$0x0], $0xffff;
	[tilespmem:s8+$0xE0] =	vst v52  }
0x237: {  	v58 =	vadd.s32 $0xC100, v39;
	[tilespmem:s8+$0x90] =	vst v14;
	v8 =	vld.idx.msk [tilespmem:v53+s20+$0x0], $0xffff  }
0x238: {  	v2 =	vadd.s32 $0xC180, v2;
	v13 =	vld.idx.msk [tilespmem:v54+s20+$0x0], $0xffff;
	[tilespmem:s8+$0xB0] =	vst v15  }
0x239: {  	v3 =	vadd.s32 $0xC180, v3;
	v61 =	vld.idx.msk [tilespmem:v57+s20+$0x0], $0xffff;
	[tilespmem:s8+$0xC0] =	vst v5  }
0x23a: {  	v0 =	vadd.s32 $0xC180, v0;
	v59 =	vld.idx.msk [tilespmem:v55+s20+$0x0], $0xffff;
	[tilespmem:s8+$0x180] =	vst v4  }
0x23b: {  	v60 =	vadd.s32 $0xC180, v11;
	[tilespmem:s8+$0xA0] =	vst v10;
	v5 =	vld.idx.msk [tilespmem:v56+s20+$0x0], $0xffff  }
0x23c: {  	v1 =	vadd.s32 $0xC180, v1;
	v62 =	vld.idx.msk [tilespmem:v58+s20+$0x0], $0xffff;
	[tilespmem:s8+$0x150] =	vst v8  }
0x23d: {  	v6 =	vadd.s32 $0xC180, v39;
	[tilespmem:s8+$0x160] =	vst v13;
	v2 =	vld.idx.msk [tilespmem:v2+s20+$0x0], $0xffff  }
0x23e: {  	[tilespmem:s8+$0x110] =	vst v61;
	v3 =	vld.idx.msk [tilespmem:v3+s20+$0x0], $0xffff  }
0x23f: {  	v0 =	vld.idx.msk [tilespmem:v0+s20+$0x0], $0xffff;
	[tilespmem:s8+$0x130] =	vst v59  }
0x240: {  	v4 =	vld.idx.msk [tilespmem:v60+s20+$0x0], $0xffff;
	[tilespmem:s8+$0x140] =	vst v5  }
0x241: {  	[tilespmem:s8+$0x120] =	vst v62;
	v1 =	vld.idx.msk [tilespmem:v1+s20+$0x0], $0xffff  }
0x242: {  	v63 =	vld.idx.msk [tilespmem:v6+s20+$0x0], $0xffff;
	[tilespmem:s8+$0x1D0] =	vst v2  }
0x243: {  	[tilespmem:s8+$0x1E0] =	vst v3  }
.Ltmp9:
0x244: {  	[tilespmem:s8+$0x190] =	vst v0;
	(pc) =	sbr.rel @p0 .LBB2_16-.Ltmp9, $4  }
0x245: {  	[tilespmem:s8+$0x1B0] =	vst v4  }
0x246: {  	[tilespmem:s8+$0x1C0] =	vst v1  }
0x247: {  	s5 =	sadd.s32 s5, s15;
	[tilespmem:s8+$0x1A0] =	vst v63  }
0x248: {  	[hbm4b:s5+s18] =	stream.strided.scatter [tilespmem:s30], [sflag:$0x6], $0x4000, s19, s18, $0x38;
	[tilespmem:$0x19000] =	vst v63  }
.Ltmp10:
0x249: {  	(pc) =	sbr.rel .LBB2_2-.Ltmp10, $3  }
0x24a: {  	_ =	sdelay $0x1  }
0x24b: {  	s3 =	sadd.s32 s3, s16;
	s22 =	sadd.s32 $0x1, s22  }
0x24c: {  	[tilespmem:s23], [sflag:$0x4] =	stream.strided.gather [hbm4b:s3+s18], $0x4000, s19, s18, $0x38;
	[tilespmem:$0x19000] =	vst v63  }
.LBB2_17:
0x24d: {  	_ =	sfence.sel $0x180000  }
0x24e: {  	[bflag:$0x0] =	sbarrier.arrive $0xFFFF  }
0x24f: {  	_ =	strace $0x90000047  }
0x250: {  	s0 =	stileid.u32;
	[bflag:$0x2] =	sbarrier.arrive $0xFFFF  }
0x251: {  	p0 =	sne.s32 s0, $0x0;
	s0 =	rddreg [dreg:$0x3]  }
0x252: {  	s0 =	sadd.s32 @!p0 $0x100000, s0  }
0x253: {  	[sflag:s0] =	ssyncadd.tile.s32 @!p0 $0x1;
	_ =	shalt  }
.Lfunc_end2:
_tile_overlayer_lowered:
.L_overlay_start_2:
0x254: {  	(tag) =	ssettag $0x2  }
0x255: {  	s0 =	rddreg [dreg:$0x0];
	s2 =	stileid.u32  }
0x256: {  	s1 =	rddreg [dreg:$0x1];
	p0 =	sne.s32 s2, $0x0  }
0x257: {  	s3 =	rddreg [dreg:$0x2];
	[bflag:$0x3] =	sbarrier.arrive $0xFFFF;
	s2 =	simm.s32 @!p0 $0x1C07  }
0x258: {  	[timem:s3], [sflag:s2] =	dma.local @!p0 [hbm:s0], s1  }
0x259: {  	s0 =	simm.s32 @!p0 $0x7  }
0x25a: {  	_ =	swait.ge @!p0 [sflag:s0], s1  }
0x25b: {  	s1 =	ssub.s32 @!p0 $0x0, s1;
	[sflag:s0] =	ssyncset.done @!p0 $0x0  }
0x25c: {  	[sflag:s0] =	ssyncadd.s32 @!p0 s1  }
0x25d: {  	[bflag:$0x3] =	sbarrier.arrive $0xFFFF  }
0x25e: {  	_ =	shalt  }

</sc_bundles>
